<compile_context>
chip_gen: v7x
topology: tpu7x:2x2x1
jax: 0.10.2.dev20260603
libtpu: 0.0.44.dev20260713+nightly
codegen_flags: <defaults>
</compile_context>

<pallas_src>
import jax
import jax.numpy as jnp
from jax import lax
from jax.experimental import pallas as pl
from jax.experimental.pallas import tpu as pltpu
from jax.experimental.pallas import tpu_sc as plsc

VOCAB = 1000000
EMBED = 64
BATCH = 4096
SEQ = 200

NC = 2
NS = 16
NW = NC * NS

B_TOTAL = BATCH * SEQ
B_PER_W = B_TOTAL // NW
CHUNK = 128
NCHUNKS = B_PER_W // CHUNK
NBUF = 5
NGROUPS = NCHUNKS // NBUF

PAD = 2 * EMBED


def _gather_kernel(table_hbm, idx_hbm, out_hbm, idx_v, rows_v, gsem, osem):
    wid = lax.axis_index("s") * NC + lax.axis_index("c")
    base = pl.multiple_of(wid * B_PER_W, B_PER_W)

    pltpu.sync_copy(idx_hbm.at[wid], idx_v)

    def gather_start(c, b):
        pltpu.async_copy(table_hbm.at[idx_v.at[c]], rows_v.at[b], gsem.at[b])

    def gather_wait(c, b):
        pltpu.make_async_copy(
            table_hbm.at[idx_v.at[c]], rows_v.at[b], gsem.at[b]
        ).wait()

    def out_slice(c):
        return out_hbm.at[pl.ds(pl.multiple_of(base + c * CHUNK, CHUNK), CHUNK)]

    def store_start(c, b):
        pltpu.async_copy(rows_v.at[b], out_slice(c), osem.at[b])

    def store_wait(c, b):
        pltpu.make_async_copy(rows_v.at[b], out_slice(c), osem.at[b]).wait()

    def step(c, b, first, last):
        gather_wait(c, b)
        store_start(c, b)
        nb = (b + NBUF - 1) % NBUF
        if not last:
            if not first:
                store_wait(c - 1, nb)
            gather_start(c + NBUF - 1, nb)

    for b in range(NBUF - 1):
        gather_start(b, b)

    for b in range(NBUF):
        step(b, b, first=(b == 0), last=False)

    def group(g, carry):
        for b in range(NBUF):
            step(g * NBUF + b, b, first=False, last=False)
        return carry

    lax.fori_loop(1, NGROUPS - 1, group, 0, unroll=False)

    for b in range(NBUF):
        c = (NGROUPS - 1) * NBUF + b
        step(c, b, first=False, last=(b != 0))

    for b in range(NBUF):
        store_wait(NCHUNKS - NBUF + b, b)


@jax.jit
def _embedding_lookup(sequence, table):
    idx = sequence.reshape(NW, NCHUNKS, CHUNK).astype(jnp.int32)
    table_p = jnp.broadcast_to(table[:, None, :], (VOCAB, 2, EMBED)).reshape(VOCAB, PAD)

    mesh = plsc.VectorSubcoreMesh(core_axis_name="c", subcore_axis_name="s")
    out = pl.kernel(
        _gather_kernel,
        out_type=jax.ShapeDtypeStruct((B_TOTAL, PAD), jnp.float32),
        mesh=mesh,
        scratch_types=[
            pltpu.VMEM((NCHUNKS, CHUNK), jnp.int32),
            pltpu.VMEM((NBUF, CHUNK, PAD), jnp.float32),
            pltpu.SemaphoreType.DMA((NBUF,)),
            pltpu.SemaphoreType.DMA((NBUF,)),
        ],
        compiler_params=pltpu.CompilerParams(use_tc_tiling_on_sc=True),
    )(table_p, idx)
    return out[:, :EMBED].reshape(BATCH, SEQ, EMBED)


def kernel(sequence, table):
    return _embedding_lookup(sequence, table)

# --- scband reference (transcript-rebuilt; emitter-appended) ---
"""Pipeline reference for scband-bertembedding-47691316854994 (READ-ONLY COPY).

The authoritative reference and input builder live on the scoring server;
editing this copy changes nothing except your own understanding.
"""

import jax, jax.numpy as jnp
import numpy as np

VOCAB = 1000000
EMBED = 64
BATCH = 4096
SEQ = 200

def setup_inputs(seed: int = 0) -> dict:
    key = jax.random.key(seed)
    k_idx, k_tab = jax.random.split(key)
    sequence = jax.random.randint(k_idx, (BATCH, SEQ), 0, VOCAB, dtype=jnp.int64 if jax.config.jax_enable_x64 else jnp.int32)
    table = jax.random.normal(k_tab, (VOCAB, EMBED), dtype=jnp.float32) * 0.02
    return {"sequence": sequence, "table": table}

def reference(sequence, table):
    # BERTEmbedding.forward with use_rope=True: x = token(sequence); dropout (identity in eval)
    x = jnp.take(table, sequence, axis=0)
    return x

if __name__ == "__main__":
    import jax
    _d = setup_inputs()
    print(jax.jit(kernel)(*tuple(_d.values())))

</pallas_src>

<mosaic_0001>
#map = affine_map<(d0, d1) -> (0, 0)>
#map1 = affine_map<(d0, d1) -> (0, 0, 0)>
module attributes {stable_mosaic.version = 14 : i64} {
  func.func @_gather_kernel(%arg0: i32, %arg1: i32, %arg2: memref<1000000x128xf32, #tpu.memory_space<hbm>>, %arg3: memref<32x200x128xi32, #tpu.memory_space<hbm>>, %arg4: memref<819200x128xf32, #tpu.memory_space<hbm>>, %arg5: memref<200x128xi32, #tpu.memory_space<vmem>>, %arg6: memref<5x128x128xf32, #tpu.memory_space<vmem>>, %arg7: memref<5x!tpu.dma_semaphore, #tpu.memory_space<semaphore_mem>>, %arg8: memref<5x!tpu.dma_semaphore, #tpu.memory_space<semaphore_mem>>) attributes {dimension_semantics = [#tpu.dimension_semantics<core_parallel>, #tpu.dimension_semantics<subcore_parallel>], iteration_bounds = array<i64: 2, 16>, scalar_prefetch = 0 : i64, scratch_operands = 4 : i64, tpu.core_type = #tpu.core_type<sc_vector_subcore>, window_params = [{transform_indices = #map}, {transform_indices = #map1}, {transform_indices = #map}]} {
    %mul3A = arith.constant 2 : i32
    %mul3A_0 = arith.muli %arg1, %mul3A : i32
    %add3A = arith.addi %mul3A_0, %arg0 : i32
    %mul3A_1 = arith.constant 25600 : i32
    %mul3A_2 = arith.muli %add3A, %mul3A_1 : i32
    %multiple_of3A = tpu.assume_multiple %mul3A_2, 25600 : i32
    "tpu.region"() ({
      %run_scoped3A = tpu.sem_alloc : memref<!tpu.dma_semaphore, #tpu.memory_space<semaphore_mem>>
      %dma_start3A_686 = arith.constant 0 : i32
      %dma_start3A_687 = arith.constant 0 : i32
      %dma_start3A_688 = tpu.memref_slice %arg3[%add3A, %dma_start3A_686, %dma_start3A_687] : memref<32x200x128xi32, #tpu.memory_space<hbm>> -> memref<1x200x128xi32, #tpu.memory_space<hbm>>
      %dma_start3A_689 = tpu.memref_squeeze %dma_start3A_688 : memref<1x200x128xi32, #tpu.memory_space<hbm>> -> memref<200x128xi32, #tpu.memory_space<hbm>>
      %dma_start3A_690 = arith.constant 0 : i32
      %dma_start3A_691 = arith.constant 0 : i32
      %dma_start3A_692 = tpu.memref_slice %arg3[%add3A, %dma_start3A_690, %dma_start3A_691] : memref<32x200x128xi32, #tpu.memory_space<hbm>> -> memref<1x200x128xi32, #tpu.memory_space<hbm>>
      %dma_start3A_693 = tpu.memref_squeeze %dma_start3A_692 : memref<1x200x128xi32, #tpu.memory_space<hbm>> -> memref<200x128xi32, #tpu.memory_space<hbm>>
      tpu.enqueue_dma source(%dma_start3A_693 : memref<200x128xi32, #tpu.memory_space<hbm>>) target(%arg5 : memref<200x128xi32, #tpu.memory_space<vmem>>) target_semaphore(%run_scoped3A : memref<!tpu.dma_semaphore, #tpu.memory_space<semaphore_mem>>)
      %dma_wait3A_694 = arith.constant 0 : i32
      %dma_wait3A_695 = arith.constant 0 : i32
      %dma_wait3A_696 = tpu.memref_slice %arg3[%add3A, %dma_wait3A_694, %dma_wait3A_695] : memref<32x200x128xi32, #tpu.memory_space<hbm>> -> memref<1x200x128xi32, #tpu.memory_space<hbm>>
      %dma_wait3A_697 = tpu.memref_squeeze %dma_wait3A_696 : memref<1x200x128xi32, #tpu.memory_space<hbm>> -> memref<200x128xi32, #tpu.memory_space<hbm>>
      %dma_wait3A_698 = arith.constant 0 : i32
      %dma_wait3A_699 = arith.constant 0 : i32
      %dma_wait3A_700 = tpu.memref_slice %arg3[%add3A, %dma_wait3A_698, %dma_wait3A_699] : memref<32x200x128xi32, #tpu.memory_space<hbm>> -> memref<1x200x128xi32, #tpu.memory_space<hbm>>
      %dma_wait3A_701 = tpu.memref_squeeze %dma_wait3A_700 : memref<1x200x128xi32, #tpu.memory_space<hbm>> -> memref<200x128xi32, #tpu.memory_space<hbm>>
      tpu.wait_dma2 semaphore(%run_scoped3A : memref<!tpu.dma_semaphore, #tpu.memory_space<semaphore_mem>>) src(%dma_wait3A_701 : memref<200x128xi32, #tpu.memory_space<hbm>>) dst(%arg5 : memref<200x128xi32, #tpu.memory_space<vmem>>)
      tpu.yield
    }) : () -> ()
    %dma_start3A = arith.constant 0 : i32
    %dma_start3A_3 = arith.constant 0 : i32
    %dma_start3A_4 = arith.constant 0 : i32
    %dma_start3A_5 = arith.constant 0 : i32
    %dma_start3A_6 = arith.constant 0 : i32
    %dma_start3A_7 = tpu.memref_slice %arg6[%dma_start3A_3, %dma_start3A_5, %dma_start3A_6] : memref<5x128x128xf32, #tpu.memory_space<vmem>> -> memref<1x128x128xf32, #tpu.memory_space<vmem>>
    %dma_start3A_8 = tpu.memref_squeeze %dma_start3A_7 : memref<1x128x128xf32, #tpu.memory_space<vmem>> -> memref<128x128xf32, #tpu.memory_space<vmem>>
    %dma_start3A_9 = arith.constant 0 : i32
    %dma_start3A_10 = tpu.memref_slice %arg5[%dma_start3A, %dma_start3A_9] : memref<200x128xi32, #tpu.memory_space<vmem>> -> memref<1x128xi32, #tpu.memory_space<vmem>>
    %dma_start3A_11 = tpu.memref_squeeze %dma_start3A_10 : memref<1x128xi32, #tpu.memory_space<vmem>> -> memref<128xi32, #tpu.memory_space<vmem>>
    %dma_start3A_12 = arith.constant 0 : i32
    %dma_start3A_13 = arith.constant 0 : i32
    %dma_start3A_14 = tpu.memref_slice %arg2[%dma_start3A_12, %dma_start3A_13] : memref<1000000x128xf32, #tpu.memory_space<hbm>> -> memref<1000000x128xf32, #tpu.memory_space<hbm>>
    %dma_start3A_15 = tpu.memref_slice %arg7[%dma_start3A_4] : memref<5x!tpu.dma_semaphore, #tpu.memory_space<semaphore_mem>> -> memref<1x!tpu.dma_semaphore, #tpu.memory_space<semaphore_mem>>
    %dma_start3A_16 = tpu.memref_squeeze %dma_start3A_15 : memref<1x!tpu.dma_semaphore, #tpu.memory_space<semaphore_mem>> -> memref<!tpu.dma_semaphore, #tpu.memory_space<semaphore_mem>>
    tpu.enqueue_indirect_dma source(%dma_start3A_14 : memref<1000000x128xf32, #tpu.memory_space<hbm>>) target(%dma_start3A_8 : memref<128x128xf32, #tpu.memory_space<vmem>>) offsets(%dma_start3A_11 : memref<128xi32, #tpu.memory_space<vmem>>) semaphore(%dma_start3A_16 : memref<!tpu.dma_semaphore, #tpu.memory_space<semaphore_mem>>)
    %dma_start3A_17 = arith.constant 1 : i32
    %dma_start3A_18 = arith.constant 1 : i32
    %dma_start3A_19 = arith.constant 1 : i32
    %dma_start3A_20 = arith.constant 0 : i32
    %dma_start3A_21 = arith.constant 0 : i32
    %dma_start3A_22 = tpu.memref_slice %arg6[%dma_start3A_18, %dma_start3A_20, %dma_start3A_21] : memref<5x128x128xf32, #tpu.memory_space<vmem>> -> memref<1x128x128xf32, #tpu.memory_space<vmem>>
    %dma_start3A_23 = tpu.memref_squeeze %dma_start3A_22 : memref<1x128x128xf32, #tpu.memory_space<vmem>> -> memref<128x128xf32, #tpu.memory_space<vmem>>
    %dma_start3A_24 = arith.constant 0 : i32
    %dma_start3A_25 = tpu.memref_slice %arg5[%dma_start3A_17, %dma_start3A_24] : memref<200x128xi32, #tpu.memory_space<vmem>> -> memref<1x128xi32, #tpu.memory_space<vmem>>
    %dma_start3A_26 = tpu.memref_squeeze %dma_start3A_25 : memref<1x128xi32, #tpu.memory_space<vmem>> -> memref<128xi32, #tpu.memory_space<vmem>>
    %dma_start3A_27 = arith.constant 0 : i32
    %dma_start3A_28 = arith.constant 0 : i32
    %dma_start3A_29 = tpu.memref_slice %arg2[%dma_start3A_27, %dma_start3A_28] : memref<1000000x128xf32, #tpu.memory_space<hbm>> -> memref<1000000x128xf32, #tpu.memory_space<hbm>>
    %dma_start3A_30 = tpu.memref_slice %arg7[%dma_start3A_19] : memref<5x!tpu.dma_semaphore, #tpu.memory_space<semaphore_mem>> -> memref<1x!tpu.dma_semaphore, #tpu.memory_space<semaphore_mem>>
    %dma_start3A_31 = tpu.memref_squeeze %dma_start3A_30 : memref<1x!tpu.dma_semaphore, #tpu.memory_space<semaphore_mem>> -> memref<!tpu.dma_semaphore, #tpu.memory_space<semaphore_mem>>
    tpu.enqueue_indirect_dma source(%dma_start3A_29 : memref<1000000x128xf32, #tpu.memory_space<hbm>>) target(%dma_start3A_23 : memref<128x128xf32, #tpu.memory_space<vmem>>) offsets(%dma_start3A_26 : memref<128xi32, #tpu.memory_space<vmem>>) semaphore(%dma_start3A_31 : memref<!tpu.dma_semaphore, #tpu.memory_space<semaphore_mem>>)
    %dma_start3A_32 = arith.constant 2 : i32
    %dma_start3A_33 = arith.constant 2 : i32
    %dma_start3A_34 = arith.constant 2 : i32
    %dma_start3A_35 = arith.constant 0 : i32
    %dma_start3A_36 = arith.constant 0 : i32
    %dma_start3A_37 = tpu.memref_slice %arg6[%dma_start3A_33, %dma_start3A_35, %dma_start3A_36] : memref<5x128x128xf32, #tpu.memory_space<vmem>> -> memref<1x128x128xf32, #tpu.memory_space<vmem>>
    %dma_start3A_38 = tpu.memref_squeeze %dma_start3A_37 : memref<1x128x128xf32, #tpu.memory_space<vmem>> -> memref<128x128xf32, #tpu.memory_space<vmem>>
    %dma_start3A_39 = arith.constant 0 : i32
    %dma_start3A_40 = tpu.memref_slice %arg5[%dma_start3A_32, %dma_start3A_39] : memref<200x128xi32, #tpu.memory_space<vmem>> -> memref<1x128xi32, #tpu.memory_space<vmem>>
    %dma_start3A_41 = tpu.memref_squeeze %dma_start3A_40 : memref<1x128xi32, #tpu.memory_space<vmem>> -> memref<128xi32, #tpu.memory_space<vmem>>
    %dma_start3A_42 = arith.constant 0 : i32
    %dma_start3A_43 = arith.constant 0 : i32
    %dma_start3A_44 = tpu.memref_slice %arg2[%dma_start3A_42, %dma_start3A_43] : memref<1000000x128xf32, #tpu.memory_space<hbm>> -> memref<1000000x128xf32, #tpu.memory_space<hbm>>
    %dma_start3A_45 = tpu.memref_slice %arg7[%dma_start3A_34] : memref<5x!tpu.dma_semaphore, #tpu.memory_space<semaphore_mem>> -> memref<1x!tpu.dma_semaphore, #tpu.memory_space<semaphore_mem>>
    %dma_start3A_46 = tpu.memref_squeeze %dma_start3A_45 : memref<1x!tpu.dma_semaphore, #tpu.memory_space<semaphore_mem>> -> memref<!tpu.dma_semaphore, #tpu.memory_space<semaphore_mem>>
    tpu.enqueue_indirect_dma source(%dma_start3A_44 : memref<1000000x128xf32, #tpu.memory_space<hbm>>) target(%dma_start3A_38 : memref<128x128xf32, #tpu.memory_space<vmem>>) offsets(%dma_start3A_41 : memref<128xi32, #tpu.memory_space<vmem>>) semaphore(%dma_start3A_46 : memref<!tpu.dma_semaphore, #tpu.memory_space<semaphore_mem>>)
    %dma_start3A_47 = arith.constant 3 : i32
    %dma_start3A_48 = arith.constant 3 : i32
    %dma_start3A_49 = arith.constant 3 : i32
    %dma_start3A_50 = arith.constant 0 : i32
    %dma_start3A_51 = arith.constant 0 : i32
    %dma_start3A_52 = tpu.memref_slice %arg6[%dma_start3A_48, %dma_start3A_50, %dma_start3A_51] : memref<5x128x128xf32, #tpu.memory_space<vmem>> -> memref<1x128x128xf32, #tpu.memory_space<vmem>>
    %dma_start3A_53 = tpu.memref_squeeze %dma_start3A_52 : memref<1x128x128xf32, #tpu.memory_space<vmem>> -> memref<128x128xf32, #tpu.memory_space<vmem>>
    %dma_start3A_54 = arith.constant 0 : i32
    %dma_start3A_55 = tpu.memref_slice %arg5[%dma_start3A_47, %dma_start3A_54] : memref<200x128xi32, #tpu.memory_space<vmem>> -> memref<1x128xi32, #tpu.memory_space<vmem>>
    %dma_start3A_56 = tpu.memref_squeeze %dma_start3A_55 : memref<1x128xi32, #tpu.memory_space<vmem>> -> memref<128xi32, #tpu.memory_space<vmem>>
    %dma_start3A_57 = arith.constant 0 : i32
    %dma_start3A_58 = arith.constant 0 : i32
    %dma_start3A_59 = tpu.memref_slice %arg2[%dma_start3A_57, %dma_start3A_58] : memref<1000000x128xf32, #tpu.memory_space<hbm>> -> memref<1000000x128xf32, #tpu.memory_space<hbm>>
    %dma_start3A_60 = tpu.memref_slice %arg7[%dma_start3A_49] : memref<5x!tpu.dma_semaphore, #tpu.memory_space<semaphore_mem>> -> memref<1x!tpu.dma_semaphore, #tpu.memory_space<semaphore_mem>>
    %dma_start3A_61 = tpu.memref_squeeze %dma_start3A_60 : memref<1x!tpu.dma_semaphore, #tpu.memory_space<semaphore_mem>> -> memref<!tpu.dma_semaphore, #tpu.memory_space<semaphore_mem>>
    tpu.enqueue_indirect_dma source(%dma_start3A_59 : memref<1000000x128xf32, #tpu.memory_space<hbm>>) target(%dma_start3A_53 : memref<128x128xf32, #tpu.memory_space<vmem>>) offsets(%dma_start3A_56 : memref<128xi32, #tpu.memory_space<vmem>>) semaphore(%dma_start3A_61 : memref<!tpu.dma_semaphore, #tpu.memory_space<semaphore_mem>>)
    %dma_wait3A = arith.constant 0 : i32
    %dma_wait3A_62 = arith.constant 0 : i32
    %dma_wait3A_63 = arith.constant 0 : i32
    %dma_wait3A_64 = arith.constant 0 : i32
    %dma_wait3A_65 = arith.constant 0 : i32
    %dma_wait3A_66 = tpu.memref_slice %arg6[%dma_wait3A_62, %dma_wait3A_64, %dma_wait3A_65] : memref<5x128x128xf32, #tpu.memory_space<vmem>> -> memref<1x128x128xf32, #tpu.memory_space<vmem>>
    %dma_wait3A_67 = tpu.memref_squeeze %dma_wait3A_66 : memref<1x128x128xf32, #tpu.memory_space<vmem>> -> memref<128x128xf32, #tpu.memory_space<vmem>>
    %dma_wait3A_68 = arith.constant 0 : i32
    %dma_wait3A_69 = tpu.memref_slice %arg5[%dma_wait3A, %dma_wait3A_68] : memref<200x128xi32, #tpu.memory_space<vmem>> -> memref<1x128xi32, #tpu.memory_space<vmem>>
    %dma_wait3A_70 = tpu.memref_squeeze %dma_wait3A_69 : memref<1x128xi32, #tpu.memory_space<vmem>> -> memref<128xi32, #tpu.memory_space<vmem>>
    %dma_wait3A_71 = arith.constant 0 : i32
    %dma_wait3A_72 = arith.constant 0 : i32
    %dma_wait3A_73 = tpu.memref_slice %arg2[%dma_wait3A_71, %dma_wait3A_72] : memref<1000000x128xf32, #tpu.memory_space<hbm>> -> memref<1000000x128xf32, #tpu.memory_space<hbm>>
    %dma_wait3A_74 = tpu.memref_slice %arg7[%dma_wait3A_63] : memref<5x!tpu.dma_semaphore, #tpu.memory_space<semaphore_mem>> -> memref<1x!tpu.dma_semaphore, #tpu.memory_space<semaphore_mem>>
    %dma_wait3A_75 = tpu.memref_squeeze %dma_wait3A_74 : memref<1x!tpu.dma_semaphore, #tpu.memory_space<semaphore_mem>> -> memref<!tpu.dma_semaphore, #tpu.memory_space<semaphore_mem>>
    tpu.wait_indirect_dma semaphore(%dma_wait3A_75 : memref<!tpu.dma_semaphore, #tpu.memory_space<semaphore_mem>>) src(%dma_wait3A_73 : memref<1000000x128xf32, #tpu.memory_space<hbm>>) dst(%dma_wait3A_67 : memref<128x128xf32, #tpu.memory_space<vmem>>)
    %add3A_76 = arith.constant 0 : i32
    %add3A_77 = arith.addi %multiple_of3A, %add3A_76 : i32
    %multiple_of3A_78 = tpu.assume_multiple %add3A_77, 128 : i32
    %dma_start3A_79 = arith.constant 0 : i32
    %dma_start3A_80 = arith.constant 0 : i32
    %dma_start3A_81 = arith.constant 0 : i32
    %dma_start3A_82 = arith.constant 0 : i32
    %dma_start3A_83 = tpu.memref_slice %arg6[%dma_start3A_79, %dma_start3A_81, %dma_start3A_82] : memref<5x128x128xf32, #tpu.memory_space<vmem>> -> memref<1x128x128xf32, #tpu.memory_space<vmem>>
    %dma_start3A_84 = tpu.memref_squeeze %dma_start3A_83 : memref<1x128x128xf32, #tpu.memory_space<vmem>> -> memref<128x128xf32, #tpu.memory_space<vmem>>
    %dma_start3A_85 = arith.constant 0 : i32
    %dma_start3A_86 = tpu.memref_slice %arg4[%multiple_of3A_78, %dma_start3A_85] : memref<819200x128xf32, #tpu.memory_space<hbm>> -> memref<128x128xf32, #tpu.memory_space<hbm>>
    %dma_start3A_87 = tpu.memref_slice %arg8[%dma_start3A_80] : memref<5x!tpu.dma_semaphore, #tpu.memory_space<semaphore_mem>> -> memref<1x!tpu.dma_semaphore, #tpu.memory_space<semaphore_mem>>
    %dma_start3A_88 = tpu.memref_squeeze %dma_start3A_87 : memref<1x!tpu.dma_semaphore, #tpu.memory_space<semaphore_mem>> -> memref<!tpu.dma_semaphore, #tpu.memory_space<semaphore_mem>>
    %dma_start3A_89 = arith.constant 0 : i32
    %dma_start3A_90 = tpu.memref_slice %arg4[%multiple_of3A_78, %dma_start3A_89] : memref<819200x128xf32, #tpu.memory_space<hbm>> -> memref<128x128xf32, #tpu.memory_space<hbm>>
    %dma_start3A_91 = arith.constant 0 : i32
    %dma_start3A_92 = arith.constant 0 : i32
    %dma_start3A_93 = tpu.memref_slice %arg6[%dma_start3A_79, %dma_start3A_91, %dma_start3A_92] : memref<5x128x128xf32, #tpu.memory_space<vmem>> -> memref<1x128x128xf32, #tpu.memory_space<vmem>>
    %dma_start3A_94 = tpu.memref_squeeze %dma_start3A_93 : memref<1x128x128xf32, #tpu.memory_space<vmem>> -> memref<128x128xf32, #tpu.memory_space<vmem>>
    tpu.enqueue_dma source(%dma_start3A_94 : memref<128x128xf32, #tpu.memory_space<vmem>>) target(%dma_start3A_90 : memref<128x128xf32, #tpu.memory_space<hbm>>) target_semaphore(%dma_start3A_88 : memref<!tpu.dma_semaphore, #tpu.memory_space<semaphore_mem>>)
    %dma_start3A_95 = arith.constant 4 : i32
    %dma_start3A_96 = arith.constant 4 : i32
    %dma_start3A_97 = arith.constant 4 : i32
    %dma_start3A_98 = arith.constant 0 : i32
    %dma_start3A_99 = arith.constant 0 : i32
    %dma_start3A_100 = tpu.memref_slice %arg6[%dma_start3A_96, %dma_start3A_98, %dma_start3A_99] : memref<5x128x128xf32, #tpu.memory_space<vmem>> -> memref<1x128x128xf32, #tpu.memory_space<vmem>>
    %dma_start3A_101 = tpu.memref_squeeze %dma_start3A_100 : memref<1x128x128xf32, #tpu.memory_space<vmem>> -> memref<128x128xf32, #tpu.memory_space<vmem>>
    %dma_start3A_102 = arith.constant 0 : i32
    %dma_start3A_103 = tpu.memref_slice %arg5[%dma_start3A_95, %dma_start3A_102] : memref<200x128xi32, #tpu.memory_space<vmem>> -> memref<1x128xi32, #tpu.memory_space<vmem>>
    %dma_start3A_104 = tpu.memref_squeeze %dma_start3A_103 : memref<1x128xi32, #tpu.memory_space<vmem>> -> memref<128xi32, #tpu.memory_space<vmem>>
    %dma_start3A_105 = arith.constant 0 : i32
    %dma_start3A_106 = arith.constant 0 : i32
    %dma_start3A_107 = tpu.memref_slice %arg2[%dma_start3A_105, %dma_start3A_106] : memref<1000000x128xf32, #tpu.memory_space<hbm>> -> memref<1000000x128xf32, #tpu.memory_space<hbm>>
    %dma_start3A_108 = tpu.memref_slice %arg7[%dma_start3A_97] : memref<5x!tpu.dma_semaphore, #tpu.memory_space<semaphore_mem>> -> memref<1x!tpu.dma_semaphore, #tpu.memory_space<semaphore_mem>>
    %dma_start3A_109 = tpu.memref_squeeze %dma_start3A_108 : memref<1x!tpu.dma_semaphore, #tpu.memory_space<semaphore_mem>> -> memref<!tpu.dma_semaphore, #tpu.memory_space<semaphore_mem>>
    tpu.enqueue_indirect_dma source(%dma_start3A_107 : memref<1000000x128xf32, #tpu.memory_space<hbm>>) target(%dma_start3A_101 : memref<128x128xf32, #tpu.memory_space<vmem>>) offsets(%dma_start3A_104 : memref<128xi32, #tpu.memory_space<vmem>>) semaphore(%dma_start3A_109 : memref<!tpu.dma_semaphore, #tpu.memory_space<semaphore_mem>>)
    %dma_wait3A_110 = arith.constant 1 : i32
    %dma_wait3A_111 = arith.constant 1 : i32
    %dma_wait3A_112 = arith.constant 1 : i32
    %dma_wait3A_113 = arith.constant 0 : i32
    %dma_wait3A_114 = arith.constant 0 : i32
    %dma_wait3A_115 = tpu.memref_slice %arg6[%dma_wait3A_111, %dma_wait3A_113, %dma_wait3A_114] : memref<5x128x128xf32, #tpu.memory_space<vmem>> -> memref<1x128x128xf32, #tpu.memory_space<vmem>>
    %dma_wait3A_116 = tpu.memref_squeeze %dma_wait3A_115 : memref<1x128x128xf32, #tpu.memory_space<vmem>> -> memref<128x128xf32, #tpu.memory_space<vmem>>
    %dma_wait3A_117 = arith.constant 0 : i32
    %dma_wait3A_118 = tpu.memref_slice %arg5[%dma_wait3A_110, %dma_wait3A_117] : memref<200x128xi32, #tpu.memory_space<vmem>> -> memref<1x128xi32, #tpu.memory_space<vmem>>
    %dma_wait3A_119 = tpu.memref_squeeze %dma_wait3A_118 : memref<1x128xi32, #tpu.memory_space<vmem>> -> memref<128xi32, #tpu.memory_space<vmem>>
    %dma_wait3A_120 = arith.constant 0 : i32
    %dma_wait3A_121 = arith.constant 0 : i32
    %dma_wait3A_122 = tpu.memref_slice %arg2[%dma_wait3A_120, %dma_wait3A_121] : memref<1000000x128xf32, #tpu.memory_space<hbm>> -> memref<1000000x128xf32, #tpu.memory_space<hbm>>
    %dma_wait3A_123 = tpu.memref_slice %arg7[%dma_wait3A_112] : memref<5x!tpu.dma_semaphore, #tpu.memory_space<semaphore_mem>> -> memref<1x!tpu.dma_semaphore, #tpu.memory_space<semaphore_mem>>
    %dma_wait3A_124 = tpu.memref_squeeze %dma_wait3A_123 : memref<1x!tpu.dma_semaphore, #tpu.memory_space<semaphore_mem>> -> memref<!tpu.dma_semaphore, #tpu.memory_space<semaphore_mem>>
    tpu.wait_indirect_dma semaphore(%dma_wait3A_124 : memref<!tpu.dma_semaphore, #tpu.memory_space<semaphore_mem>>) src(%dma_wait3A_122 : memref<1000000x128xf32, #tpu.memory_space<hbm>>) dst(%dma_wait3A_116 : memref<128x128xf32, #tpu.memory_space<vmem>>)
    %add3A_125 = arith.constant 128 : i32
    %add3A_126 = arith.addi %multiple_of3A, %add3A_125 : i32
    %multiple_of3A_127 = tpu.assume_multiple %add3A_126, 128 : i32
    %dma_start3A_128 = arith.constant 1 : i32
    %dma_start3A_129 = arith.constant 1 : i32
    %dma_start3A_130 = arith.constant 0 : i32
    %dma_start3A_131 = arith.constant 0 : i32
    %dma_start3A_132 = tpu.memref_slice %arg6[%dma_start3A_128, %dma_start3A_130, %dma_start3A_131] : memref<5x128x128xf32, #tpu.memory_space<vmem>> -> memref<1x128x128xf32, #tpu.memory_space<vmem>>
    %dma_start3A_133 = tpu.memref_squeeze %dma_start3A_132 : memref<1x128x128xf32, #tpu.memory_space<vmem>> -> memref<128x128xf32, #tpu.memory_space<vmem>>
    %dma_start3A_134 = arith.constant 0 : i32
    %dma_start3A_135 = tpu.memref_slice %arg4[%multiple_of3A_127, %dma_start3A_134] : memref<819200x128xf32, #tpu.memory_space<hbm>> -> memref<128x128xf32, #tpu.memory_space<hbm>>
    %dma_start3A_136 = tpu.memref_slice %arg8[%dma_start3A_129] : memref<5x!tpu.dma_semaphore, #tpu.memory_space<semaphore_mem>> -> memref<1x!tpu.dma_semaphore, #tpu.memory_space<semaphore_mem>>
    %dma_start3A_137 = tpu.memref_squeeze %dma_start3A_136 : memref<1x!tpu.dma_semaphore, #tpu.memory_space<semaphore_mem>> -> memref<!tpu.dma_semaphore, #tpu.memory_space<semaphore_mem>>
    %dma_start3A_138 = arith.constant 0 : i32
    %dma_start3A_139 = tpu.memref_slice %arg4[%multiple_of3A_127, %dma_start3A_138] : memref<819200x128xf32, #tpu.memory_space<hbm>> -> memref<128x128xf32, #tpu.memory_space<hbm>>
    %dma_start3A_140 = arith.constant 0 : i32
    %dma_start3A_141 = arith.constant 0 : i32
    %dma_start3A_142 = tpu.memref_slice %arg6[%dma_start3A_128, %dma_start3A_140, %dma_start3A_141] : memref<5x128x128xf32, #tpu.memory_space<vmem>> -> memref<1x128x128xf32, #tpu.memory_space<vmem>>
    %dma_start3A_143 = tpu.memref_squeeze %dma_start3A_142 : memref<1x128x128xf32, #tpu.memory_space<vmem>> -> memref<128x128xf32, #tpu.memory_space<vmem>>
    tpu.enqueue_dma source(%dma_start3A_143 : memref<128x128xf32, #tpu.memory_space<vmem>>) target(%dma_start3A_139 : memref<128x128xf32, #tpu.memory_space<hbm>>) target_semaphore(%dma_start3A_137 : memref<!tpu.dma_semaphore, #tpu.memory_space<semaphore_mem>>)
    %add3A_144 = arith.constant 0 : i32
    %add3A_145 = arith.addi %multiple_of3A, %add3A_144 : i32
    %multiple_of3A_146 = tpu.assume_multiple %add3A_145, 128 : i32
    %dma_wait3A_147 = arith.constant 0 : i32
    %dma_wait3A_148 = arith.constant 0 : i32
    %dma_wait3A_149 = arith.constant 0 : i32
    %dma_wait3A_150 = arith.constant 0 : i32
    %dma_wait3A_151 = tpu.memref_slice %arg6[%dma_wait3A_147, %dma_wait3A_149, %dma_wait3A_150] : memref<5x128x128xf32, #tpu.memory_space<vmem>> -> memref<1x128x128xf32, #tpu.memory_space<vmem>>
    %dma_wait3A_152 = tpu.memref_squeeze %dma_wait3A_151 : memref<1x128x128xf32, #tpu.memory_space<vmem>> -> memref<128x128xf32, #tpu.memory_space<vmem>>
    %dma_wait3A_153 = arith.constant 0 : i32
    %dma_wait3A_154 = tpu.memref_slice %arg4[%multiple_of3A_146, %dma_wait3A_153] : memref<819200x128xf32, #tpu.memory_space<hbm>> -> memref<128x128xf32, #tpu.memory_space<hbm>>
    %dma_wait3A_155 = tpu.memref_slice %arg8[%dma_wait3A_148] : memref<5x!tpu.dma_semaphore, #tpu.memory_space<semaphore_mem>> -> memref<1x!tpu.dma_semaphore, #tpu.memory_space<semaphore_mem>>
    %dma_wait3A_156 = tpu.memref_squeeze %dma_wait3A_155 : memref<1x!tpu.dma_semaphore, #tpu.memory_space<semaphore_mem>> -> memref<!tpu.dma_semaphore, #tpu.memory_space<semaphore_mem>>
    %dma_wait3A_157 = arith.constant 0 : i32
    %dma_wait3A_158 = tpu.memref_slice %arg4[%multiple_of3A_146, %dma_wait3A_157] : memref<819200x128xf32, #tpu.memory_space<hbm>> -> memref<128x128xf32, #tpu.memory_space<hbm>>
    %dma_wait3A_159 = arith.constant 0 : i32
    %dma_wait3A_160 = arith.constant 0 : i32
    %dma_wait3A_161 = tpu.memref_slice %arg6[%dma_wait3A_147, %dma_wait3A_159, %dma_wait3A_160] : memref<5x128x128xf32, #tpu.memory_space<vmem>> -> memref<1x128x128xf32, #tpu.memory_space<vmem>>
    %dma_wait3A_162 = tpu.memref_squeeze %dma_wait3A_161 : memref<1x128x128xf32, #tpu.memory_space<vmem>> -> memref<128x128xf32, #tpu.memory_space<vmem>>
    tpu.wait_dma2 semaphore(%dma_wait3A_156 : memref<!tpu.dma_semaphore, #tpu.memory_space<semaphore_mem>>) src(%dma_wait3A_162 : memref<128x128xf32, #tpu.memory_space<vmem>>) dst(%dma_wait3A_158 : memref<128x128xf32, #tpu.memory_space<hbm>>)
    %dma_start3A_163 = arith.constant 5 : i32
    %dma_start3A_164 = arith.constant 0 : i32
    %dma_start3A_165 = arith.constant 0 : i32
    %dma_start3A_166 = arith.constant 0 : i32
    %dma_start3A_167 = arith.constant 0 : i32
    %dma_start3A_168 = tpu.memref_slice %arg6[%dma_start3A_164, %dma_start3A_166, %dma_start3A_167] : memref<5x128x128xf32, #tpu.memory_space<vmem>> -> memref<1x128x128xf32, #tpu.memory_space<vmem>>
    %dma_start3A_169 = tpu.memref_squeeze %dma_start3A_168 : memref<1x128x128xf32, #tpu.memory_space<vmem>> -> memref<128x128xf32, #tpu.memory_space<vmem>>
    %dma_start3A_170 = arith.constant 0 : i32
    %dma_start3A_171 = tpu.memref_slice %arg5[%dma_start3A_163, %dma_start3A_170] : memref<200x128xi32, #tpu.memory_space<vmem>> -> memref<1x128xi32, #tpu.memory_space<vmem>>
    %dma_start3A_172 = tpu.memref_squeeze %dma_start3A_171 : memref<1x128xi32, #tpu.memory_space<vmem>> -> memref<128xi32, #tpu.memory_space<vmem>>
    %dma_start3A_173 = arith.constant 0 : i32
    %dma_start3A_174 = arith.constant 0 : i32
    %dma_start3A_175 = tpu.memref_slice %arg2[%dma_start3A_173, %dma_start3A_174] : memref<1000000x128xf32, #tpu.memory_space<hbm>> -> memref<1000000x128xf32, #tpu.memory_space<hbm>>
    %dma_start3A_176 = tpu.memref_slice %arg7[%dma_start3A_165] : memref<5x!tpu.dma_semaphore, #tpu.memory_space<semaphore_mem>> -> memref<1x!tpu.dma_semaphore, #tpu.memory_space<semaphore_mem>>
    %dma_start3A_177 = tpu.memref_squeeze %dma_start3A_176 : memref<1x!tpu.dma_semaphore, #tpu.memory_space<semaphore_mem>> -> memref<!tpu.dma_semaphore, #tpu.memory_space<semaphore_mem>>
    tpu.enqueue_indirect_dma source(%dma_start3A_175 : memref<1000000x128xf32, #tpu.memory_space<hbm>>) target(%dma_start3A_169 : memref<128x128xf32, #tpu.memory_space<vmem>>) offsets(%dma_start3A_172 : memref<128xi32, #tpu.memory_space<vmem>>) semaphore(%dma_start3A_177 : memref<!tpu.dma_semaphore, #tpu.memory_space<semaphore_mem>>)
    %dma_wait3A_178 = arith.constant 2 : i32
    %dma_wait3A_179 = arith.constant 2 : i32
    %dma_wait3A_180 = arith.constant 2 : i32
    %dma_wait3A_181 = arith.constant 0 : i32
    %dma_wait3A_182 = arith.constant 0 : i32
    %dma_wait3A_183 = tpu.memref_slice %arg6[%dma_wait3A_179, %dma_wait3A_181, %dma_wait3A_182] : memref<5x128x128xf32, #tpu.memory_space<vmem>> -> memref<1x128x128xf32, #tpu.memory_space<vmem>>
    %dma_wait3A_184 = tpu.memref_squeeze %dma_wait3A_183 : memref<1x128x128xf32, #tpu.memory_space<vmem>> -> memref<128x128xf32, #tpu.memory_space<vmem>>
    %dma_wait3A_185 = arith.constant 0 : i32
    %dma_wait3A_186 = tpu.memref_slice %arg5[%dma_wait3A_178, %dma_wait3A_185] : memref<200x128xi32, #tpu.memory_space<vmem>> -> memref<1x128xi32, #tpu.memory_space<vmem>>
    %dma_wait3A_187 = tpu.memref_squeeze %dma_wait3A_186 : memref<1x128xi32, #tpu.memory_space<vmem>> -> memref<128xi32, #tpu.memory_space<vmem>>
    %dma_wait3A_188 = arith.constant 0 : i32
    %dma_wait3A_189 = arith.constant 0 : i32
    %dma_wait3A_190 = tpu.memref_slice %arg2[%dma_wait3A_188, %dma_wait3A_189] : memref<1000000x128xf32, #tpu.memory_space<hbm>> -> memref<1000000x128xf32, #tpu.memory_space<hbm>>
    %dma_wait3A_191 = tpu.memref_slice %arg7[%dma_wait3A_180] : memref<5x!tpu.dma_semaphore, #tpu.memory_space<semaphore_mem>> -> memref<1x!tpu.dma_semaphore, #tpu.memory_space<semaphore_mem>>
    %dma_wait3A_192 = tpu.memref_squeeze %dma_wait3A_191 : memref<1x!tpu.dma_semaphore, #tpu.memory_space<semaphore_mem>> -> memref<!tpu.dma_semaphore, #tpu.memory_space<semaphore_mem>>
    tpu.wait_indirect_dma semaphore(%dma_wait3A_192 : memref<!tpu.dma_semaphore, #tpu.memory_space<semaphore_mem>>) src(%dma_wait3A_190 : memref<1000000x128xf32, #tpu.memory_space<hbm>>) dst(%dma_wait3A_184 : memref<128x128xf32, #tpu.memory_space<vmem>>)
    %add3A_193 = arith.constant 256 : i32
    %add3A_194 = arith.addi %multiple_of3A, %add3A_193 : i32
    %multiple_of3A_195 = tpu.assume_multiple %add3A_194, 128 : i32
    %dma_start3A_196 = arith.constant 2 : i32
    %dma_start3A_197 = arith.constant 2 : i32
    %dma_start3A_198 = arith.constant 0 : i32
    %dma_start3A_199 = arith.constant 0 : i32
    %dma_start3A_200 = tpu.memref_slice %arg6[%dma_start3A_196, %dma_start3A_198, %dma_start3A_199] : memref<5x128x128xf32, #tpu.memory_space<vmem>> -> memref<1x128x128xf32, #tpu.memory_space<vmem>>
    %dma_start3A_201 = tpu.memref_squeeze %dma_start3A_200 : memref<1x128x128xf32, #tpu.memory_space<vmem>> -> memref<128x128xf32, #tpu.memory_space<vmem>>
    %dma_start3A_202 = arith.constant 0 : i32
    %dma_start3A_203 = tpu.memref_slice %arg4[%multiple_of3A_195, %dma_start3A_202] : memref<819200x128xf32, #tpu.memory_space<hbm>> -> memref<128x128xf32, #tpu.memory_space<hbm>>
    %dma_start3A_204 = tpu.memref_slice %arg8[%dma_start3A_197] : memref<5x!tpu.dma_semaphore, #tpu.memory_space<semaphore_mem>> -> memref<1x!tpu.dma_semaphore, #tpu.memory_space<semaphore_mem>>
    %dma_start3A_205 = tpu.memref_squeeze %dma_start3A_204 : memref<1x!tpu.dma_semaphore, #tpu.memory_space<semaphore_mem>> -> memref<!tpu.dma_semaphore, #tpu.memory_space<semaphore_mem>>
    %dma_start3A_206 = arith.constant 0 : i32
    %dma_start3A_207 = tpu.memref_slice %arg4[%multiple_of3A_195, %dma_start3A_206] : memref<819200x128xf32, #tpu.memory_space<hbm>> -> memref<128x128xf32, #tpu.memory_space<hbm>>
    %dma_start3A_208 = arith.constant 0 : i32
    %dma_start3A_209 = arith.constant 0 : i32
    %dma_start3A_210 = tpu.memref_slice %arg6[%dma_start3A_196, %dma_start3A_208, %dma_start3A_209] : memref<5x128x128xf32, #tpu.memory_space<vmem>> -> memref<1x128x128xf32, #tpu.memory_space<vmem>>
    %dma_start3A_211 = tpu.memref_squeeze %dma_start3A_210 : memref<1x128x128xf32, #tpu.memory_space<vmem>> -> memref<128x128xf32, #tpu.memory_space<vmem>>
    tpu.enqueue_dma source(%dma_start3A_211 : memref<128x128xf32, #tpu.memory_space<vmem>>) target(%dma_start3A_207 : memref<128x128xf32, #tpu.memory_space<hbm>>) target_semaphore(%dma_start3A_205 : memref<!tpu.dma_semaphore, #tpu.memory_space<semaphore_mem>>)
    %add3A_212 = arith.constant 128 : i32
    %add3A_213 = arith.addi %multiple_of3A, %add3A_212 : i32
    %multiple_of3A_214 = tpu.assume_multiple %add3A_213, 128 : i32
    %dma_wait3A_215 = arith.constant 1 : i32
    %dma_wait3A_216 = arith.constant 1 : i32
    %dma_wait3A_217 = arith.constant 0 : i32
    %dma_wait3A_218 = arith.constant 0 : i32
    %dma_wait3A_219 = tpu.memref_slice %arg6[%dma_wait3A_215, %dma_wait3A_217, %dma_wait3A_218] : memref<5x128x128xf32, #tpu.memory_space<vmem>> -> memref<1x128x128xf32, #tpu.memory_space<vmem>>
    %dma_wait3A_220 = tpu.memref_squeeze %dma_wait3A_219 : memref<1x128x128xf32, #tpu.memory_space<vmem>> -> memref<128x128xf32, #tpu.memory_space<vmem>>
    %dma_wait3A_221 = arith.constant 0 : i32
    %dma_wait3A_222 = tpu.memref_slice %arg4[%multiple_of3A_214, %dma_wait3A_221] : memref<819200x128xf32, #tpu.memory_space<hbm>> -> memref<128x128xf32, #tpu.memory_space<hbm>>
    %dma_wait3A_223 = tpu.memref_slice %arg8[%dma_wait3A_216] : memref<5x!tpu.dma_semaphore, #tpu.memory_space<semaphore_mem>> -> memref<1x!tpu.dma_semaphore, #tpu.memory_space<semaphore_mem>>
    %dma_wait3A_224 = tpu.memref_squeeze %dma_wait3A_223 : memref<1x!tpu.dma_semaphore, #tpu.memory_space<semaphore_mem>> -> memref<!tpu.dma_semaphore, #tpu.memory_space<semaphore_mem>>
    %dma_wait3A_225 = arith.constant 0 : i32
    %dma_wait3A_226 = tpu.memref_slice %arg4[%multiple_of3A_214, %dma_wait3A_225] : memref<819200x128xf32, #tpu.memory_space<hbm>> -> memref<128x128xf32, #tpu.memory_space<hbm>>
    %dma_wait3A_227 = arith.constant 0 : i32
    %dma_wait3A_228 = arith.constant 0 : i32
    %dma_wait3A_229 = tpu.memref_slice %arg6[%dma_wait3A_215, %dma_wait3A_227, %dma_wait3A_228] : memref<5x128x128xf32, #tpu.memory_space<vmem>> -> memref<1x128x128xf32, #tpu.memory_space<vmem>>
    %dma_wait3A_230 = tpu.memref_squeeze %dma_wait3A_229 : memref<1x128x128xf32, #tpu.memory_space<vmem>> -> memref<128x128xf32, #tpu.memory_space<vmem>>
    tpu.wait_dma2 semaphore(%dma_wait3A_224 : memref<!tpu.dma_semaphore, #tpu.memory_space<semaphore_mem>>) src(%dma_wait3A_230 : memref<128x128xf32, #tpu.memory_space<vmem>>) dst(%dma_wait3A_226 : memref<128x128xf32, #tpu.memory_space<hbm>>)
    %dma_start3A_231 = arith.constant 6 : i32
    %dma_start3A_232 = arith.constant 1 : i32
    %dma_start3A_233 = arith.constant 1 : i32
    %dma_start3A_234 = arith.constant 0 : i32
    %dma_start3A_235 = arith.constant 0 : i32
    %dma_start3A_236 = tpu.memref_slice %arg6[%dma_start3A_232, %dma_start3A_234, %dma_start3A_235] : memref<5x128x128xf32, #tpu.memory_space<vmem>> -> memref<1x128x128xf32, #tpu.memory_space<vmem>>
    %dma_start3A_237 = tpu.memref_squeeze %dma_start3A_236 : memref<1x128x128xf32, #tpu.memory_space<vmem>> -> memref<128x128xf32, #tpu.memory_space<vmem>>
    %dma_start3A_238 = arith.constant 0 : i32
    %dma_start3A_239 = tpu.memref_slice %arg5[%dma_start3A_231, %dma_start3A_238] : memref<200x128xi32, #tpu.memory_space<vmem>> -> memref<1x128xi32, #tpu.memory_space<vmem>>
    %dma_start3A_240 = tpu.memref_squeeze %dma_start3A_239 : memref<1x128xi32, #tpu.memory_space<vmem>> -> memref<128xi32, #tpu.memory_space<vmem>>
    %dma_start3A_241 = arith.constant 0 : i32
    %dma_start3A_242 = arith.constant 0 : i32
    %dma_start3A_243 = tpu.memref_slice %arg2[%dma_start3A_241, %dma_start3A_242] : memref<1000000x128xf32, #tpu.memory_space<hbm>> -> memref<1000000x128xf32, #tpu.memory_space<hbm>>
    %dma_start3A_244 = tpu.memref_slice %arg7[%dma_start3A_233] : memref<5x!tpu.dma_semaphore, #tpu.memory_space<semaphore_mem>> -> memref<1x!tpu.dma_semaphore, #tpu.memory_space<semaphore_mem>>
    %dma_start3A_245 = tpu.memref_squeeze %dma_start3A_244 : memref<1x!tpu.dma_semaphore, #tpu.memory_space<semaphore_mem>> -> memref<!tpu.dma_semaphore, #tpu.memory_space<semaphore_mem>>
    tpu.enqueue_indirect_dma source(%dma_start3A_243 : memref<1000000x128xf32, #tpu.memory_space<hbm>>) target(%dma_start3A_237 : memref<128x128xf32, #tpu.memory_space<vmem>>) offsets(%dma_start3A_240 : memref<128xi32, #tpu.memory_space<vmem>>) semaphore(%dma_start3A_245 : memref<!tpu.dma_semaphore, #tpu.memory_space<semaphore_mem>>)
    %dma_wait3A_246 = arith.constant 3 : i32
    %dma_wait3A_247 = arith.constant 3 : i32
    %dma_wait3A_248 = arith.constant 3 : i32
    %dma_wait3A_249 = arith.constant 0 : i32
    %dma_wait3A_250 = arith.constant 0 : i32
    %dma_wait3A_251 = tpu.memref_slice %arg6[%dma_wait3A_247, %dma_wait3A_249, %dma_wait3A_250] : memref<5x128x128xf32, #tpu.memory_space<vmem>> -> memref<1x128x128xf32, #tpu.memory_space<vmem>>
    %dma_wait3A_252 = tpu.memref_squeeze %dma_wait3A_251 : memref<1x128x128xf32, #tpu.memory_space<vmem>> -> memref<128x128xf32, #tpu.memory_space<vmem>>
    %dma_wait3A_253 = arith.constant 0 : i32
    %dma_wait3A_254 = tpu.memref_slice %arg5[%dma_wait3A_246, %dma_wait3A_253] : memref<200x128xi32, #tpu.memory_space<vmem>> -> memref<1x128xi32, #tpu.memory_space<vmem>>
    %dma_wait3A_255 = tpu.memref_squeeze %dma_wait3A_254 : memref<1x128xi32, #tpu.memory_space<vmem>> -> memref<128xi32, #tpu.memory_space<vmem>>
    %dma_wait3A_256 = arith.constant 0 : i32
    %dma_wait3A_257 = arith.constant 0 : i32
    %dma_wait3A_258 = tpu.memref_slice %arg2[%dma_wait3A_256, %dma_wait3A_257] : memref<1000000x128xf32, #tpu.memory_space<hbm>> -> memref<1000000x128xf32, #tpu.memory_space<hbm>>
    %dma_wait3A_259 = tpu.memref_slice %arg7[%dma_wait3A_248] : memref<5x!tpu.dma_semaphore, #tpu.memory_space<semaphore_mem>> -> memref<1x!tpu.dma_semaphore, #tpu.memory_space<semaphore_mem>>
    %dma_wait3A_260 = tpu.memref_squeeze %dma_wait3A_259 : memref<1x!tpu.dma_semaphore, #tpu.memory_space<semaphore_mem>> -> memref<!tpu.dma_semaphore, #tpu.memory_space<semaphore_mem>>
    tpu.wait_indirect_dma semaphore(%dma_wait3A_260 : memref<!tpu.dma_semaphore, #tpu.memory_space<semaphore_mem>>) src(%dma_wait3A_258 : memref<1000000x128xf32, #tpu.memory_space<hbm>>) dst(%dma_wait3A_252 : memref<128x128xf32, #tpu.memory_space<vmem>>)
    %add3A_261 = arith.constant 384 : i32
    %add3A_262 = arith.addi %multiple_of3A, %add3A_261 : i32
    %multiple_of3A_263 = tpu.assume_multiple %add3A_262, 128 : i32
    %dma_start3A_264 = arith.constant 3 : i32
    %dma_start3A_265 = arith.constant 3 : i32
    %dma_start3A_266 = arith.constant 0 : i32
    %dma_start3A_267 = arith.constant 0 : i32
    %dma_start3A_268 = tpu.memref_slice %arg6[%dma_start3A_264, %dma_start3A_266, %dma_start3A_267] : memref<5x128x128xf32, #tpu.memory_space<vmem>> -> memref<1x128x128xf32, #tpu.memory_space<vmem>>
    %dma_start3A_269 = tpu.memref_squeeze %dma_start3A_268 : memref<1x128x128xf32, #tpu.memory_space<vmem>> -> memref<128x128xf32, #tpu.memory_space<vmem>>
    %dma_start3A_270 = arith.constant 0 : i32
    %dma_start3A_271 = tpu.memref_slice %arg4[%multiple_of3A_263, %dma_start3A_270] : memref<819200x128xf32, #tpu.memory_space<hbm>> -> memref<128x128xf32, #tpu.memory_space<hbm>>
    %dma_start3A_272 = tpu.memref_slice %arg8[%dma_start3A_265] : memref<5x!tpu.dma_semaphore, #tpu.memory_space<semaphore_mem>> -> memref<1x!tpu.dma_semaphore, #tpu.memory_space<semaphore_mem>>
    %dma_start3A_273 = tpu.memref_squeeze %dma_start3A_272 : memref<1x!tpu.dma_semaphore, #tpu.memory_space<semaphore_mem>> -> memref<!tpu.dma_semaphore, #tpu.memory_space<semaphore_mem>>
    %dma_start3A_274 = arith.constant 0 : i32
    %dma_start3A_275 = tpu.memref_slice %arg4[%multiple_of3A_263, %dma_start3A_274] : memref<819200x128xf32, #tpu.memory_space<hbm>> -> memref<128x128xf32, #tpu.memory_space<hbm>>
    %dma_start3A_276 = arith.constant 0 : i32
    %dma_start3A_277 = arith.constant 0 : i32
    %dma_start3A_278 = tpu.memref_slice %arg6[%dma_start3A_264, %dma_start3A_276, %dma_start3A_277] : memref<5x128x128xf32, #tpu.memory_space<vmem>> -> memref<1x128x128xf32, #tpu.memory_space<vmem>>
    %dma_start3A_279 = tpu.memref_squeeze %dma_start3A_278 : memref<1x128x128xf32, #tpu.memory_space<vmem>> -> memref<128x128xf32, #tpu.memory_space<vmem>>
    tpu.enqueue_dma source(%dma_start3A_279 : memref<128x128xf32, #tpu.memory_space<vmem>>) target(%dma_start3A_275 : memref<128x128xf32, #tpu.memory_space<hbm>>) target_semaphore(%dma_start3A_273 : memref<!tpu.dma_semaphore, #tpu.memory_space<semaphore_mem>>)
    %add3A_280 = arith.constant 256 : i32
    %add3A_281 = arith.addi %multiple_of3A, %add3A_280 : i32
    %multiple_of3A_282 = tpu.assume_multiple %add3A_281, 128 : i32
    %dma_wait3A_283 = arith.constant 2 : i32
    %dma_wait3A_284 = arith.constant 2 : i32
    %dma_wait3A_285 = arith.constant 0 : i32
    %dma_wait3A_286 = arith.constant 0 : i32
    %dma_wait3A_287 = tpu.memref_slice %arg6[%dma_wait3A_283, %dma_wait3A_285, %dma_wait3A_286] : memref<5x128x128xf32, #tpu.memory_space<vmem>> -> memref<1x128x128xf32, #tpu.memory_space<vmem>>
    %dma_wait3A_288 = tpu.memref_squeeze %dma_wait3A_287 : memref<1x128x128xf32, #tpu.memory_space<vmem>> -> memref<128x128xf32, #tpu.memory_space<vmem>>
    %dma_wait3A_289 = arith.constant 0 : i32
    %dma_wait3A_290 = tpu.memref_slice %arg4[%multiple_of3A_282, %dma_wait3A_289] : memref<819200x128xf32, #tpu.memory_space<hbm>> -> memref<128x128xf32, #tpu.memory_space<hbm>>
    %dma_wait3A_291 = tpu.memref_slice %arg8[%dma_wait3A_284] : memref<5x!tpu.dma_semaphore, #tpu.memory_space<semaphore_mem>> -> memref<1x!tpu.dma_semaphore, #tpu.memory_space<semaphore_mem>>
    %dma_wait3A_292 = tpu.memref_squeeze %dma_wait3A_291 : memref<1x!tpu.dma_semaphore, #tpu.memory_space<semaphore_mem>> -> memref<!tpu.dma_semaphore, #tpu.memory_space<semaphore_mem>>
    %dma_wait3A_293 = arith.constant 0 : i32
    %dma_wait3A_294 = tpu.memref_slice %arg4[%multiple_of3A_282, %dma_wait3A_293] : memref<819200x128xf32, #tpu.memory_space<hbm>> -> memref<128x128xf32, #tpu.memory_space<hbm>>
    %dma_wait3A_295 = arith.constant 0 : i32
    %dma_wait3A_296 = arith.constant 0 : i32
    %dma_wait3A_297 = tpu.memref_slice %arg6[%dma_wait3A_283, %dma_wait3A_295, %dma_wait3A_296] : memref<5x128x128xf32, #tpu.memory_space<vmem>> -> memref<1x128x128xf32, #tpu.memory_space<vmem>>
    %dma_wait3A_298 = tpu.memref_squeeze %dma_wait3A_297 : memref<1x128x128xf32, #tpu.memory_space<vmem>> -> memref<128x128xf32, #tpu.memory_space<vmem>>
    tpu.wait_dma2 semaphore(%dma_wait3A_292 : memref<!tpu.dma_semaphore, #tpu.memory_space<semaphore_mem>>) src(%dma_wait3A_298 : memref<128x128xf32, #tpu.memory_space<vmem>>) dst(%dma_wait3A_294 : memref<128x128xf32, #tpu.memory_space<hbm>>)
    %dma_start3A_299 = arith.constant 7 : i32
    %dma_start3A_300 = arith.constant 2 : i32
    %dma_start3A_301 = arith.constant 2 : i32
    %dma_start3A_302 = arith.constant 0 : i32
    %dma_start3A_303 = arith.constant 0 : i32
    %dma_start3A_304 = tpu.memref_slice %arg6[%dma_start3A_300, %dma_start3A_302, %dma_start3A_303] : memref<5x128x128xf32, #tpu.memory_space<vmem>> -> memref<1x128x128xf32, #tpu.memory_space<vmem>>
    %dma_start3A_305 = tpu.memref_squeeze %dma_start3A_304 : memref<1x128x128xf32, #tpu.memory_space<vmem>> -> memref<128x128xf32, #tpu.memory_space<vmem>>
    %dma_start3A_306 = arith.constant 0 : i32
    %dma_start3A_307 = tpu.memref_slice %arg5[%dma_start3A_299, %dma_start3A_306] : memref<200x128xi32, #tpu.memory_space<vmem>> -> memref<1x128xi32, #tpu.memory_space<vmem>>
    %dma_start3A_308 = tpu.memref_squeeze %dma_start3A_307 : memref<1x128xi32, #tpu.memory_space<vmem>> -> memref<128xi32, #tpu.memory_space<vmem>>
    %dma_start3A_309 = arith.constant 0 : i32
    %dma_start3A_310 = arith.constant 0 : i32
    %dma_start3A_311 = tpu.memref_slice %arg2[%dma_start3A_309, %dma_start3A_310] : memref<1000000x128xf32, #tpu.memory_space<hbm>> -> memref<1000000x128xf32, #tpu.memory_space<hbm>>
    %dma_start3A_312 = tpu.memref_slice %arg7[%dma_start3A_301] : memref<5x!tpu.dma_semaphore, #tpu.memory_space<semaphore_mem>> -> memref<1x!tpu.dma_semaphore, #tpu.memory_space<semaphore_mem>>
    %dma_start3A_313 = tpu.memref_squeeze %dma_start3A_312 : memref<1x!tpu.dma_semaphore, #tpu.memory_space<semaphore_mem>> -> memref<!tpu.dma_semaphore, #tpu.memory_space<semaphore_mem>>
    tpu.enqueue_indirect_dma source(%dma_start3A_311 : memref<1000000x128xf32, #tpu.memory_space<hbm>>) target(%dma_start3A_305 : memref<128x128xf32, #tpu.memory_space<vmem>>) offsets(%dma_start3A_308 : memref<128xi32, #tpu.memory_space<vmem>>) semaphore(%dma_start3A_313 : memref<!tpu.dma_semaphore, #tpu.memory_space<semaphore_mem>>)
    %dma_wait3A_314 = arith.constant 4 : i32
    %dma_wait3A_315 = arith.constant 4 : i32
    %dma_wait3A_316 = arith.constant 4 : i32
    %dma_wait3A_317 = arith.constant 0 : i32
    %dma_wait3A_318 = arith.constant 0 : i32
    %dma_wait3A_319 = tpu.memref_slice %arg6[%dma_wait3A_315, %dma_wait3A_317, %dma_wait3A_318] : memref<5x128x128xf32, #tpu.memory_space<vmem>> -> memref<1x128x128xf32, #tpu.memory_space<vmem>>
    %dma_wait3A_320 = tpu.memref_squeeze %dma_wait3A_319 : memref<1x128x128xf32, #tpu.memory_space<vmem>> -> memref<128x128xf32, #tpu.memory_space<vmem>>
    %dma_wait3A_321 = arith.constant 0 : i32
    %dma_wait3A_322 = tpu.memref_slice %arg5[%dma_wait3A_314, %dma_wait3A_321] : memref<200x128xi32, #tpu.memory_space<vmem>> -> memref<1x128xi32, #tpu.memory_space<vmem>>
    %dma_wait3A_323 = tpu.memref_squeeze %dma_wait3A_322 : memref<1x128xi32, #tpu.memory_space<vmem>> -> memref<128xi32, #tpu.memory_space<vmem>>
    %dma_wait3A_324 = arith.constant 0 : i32
    %dma_wait3A_325 = arith.constant 0 : i32
    %dma_wait3A_326 = tpu.memref_slice %arg2[%dma_wait3A_324, %dma_wait3A_325] : memref<1000000x128xf32, #tpu.memory_space<hbm>> -> memref<1000000x128xf32, #tpu.memory_space<hbm>>
    %dma_wait3A_327 = tpu.memref_slice %arg7[%dma_wait3A_316] : memref<5x!tpu.dma_semaphore, #tpu.memory_space<semaphore_mem>> -> memref<1x!tpu.dma_semaphore, #tpu.memory_space<semaphore_mem>>
    %dma_wait3A_328 = tpu.memref_squeeze %dma_wait3A_327 : memref<1x!tpu.dma_semaphore, #tpu.memory_space<semaphore_mem>> -> memref<!tpu.dma_semaphore, #tpu.memory_space<semaphore_mem>>
    tpu.wait_indirect_dma semaphore(%dma_wait3A_328 : memref<!tpu.dma_semaphore, #tpu.memory_space<semaphore_mem>>) src(%dma_wait3A_326 : memref<1000000x128xf32, #tpu.memory_space<hbm>>) dst(%dma_wait3A_320 : memref<128x128xf32, #tpu.memory_space<vmem>>)
    %add3A_329 = arith.constant 512 : i32
    %add3A_330 = arith.addi %multiple_of3A, %add3A_329 : i32
    %multiple_of3A_331 = tpu.assume_multiple %add3A_330, 128 : i32
    %dma_start3A_332 = arith.constant 4 : i32
    %dma_start3A_333 = arith.constant 4 : i32
    %dma_start3A_334 = arith.constant 0 : i32
    %dma_start3A_335 = arith.constant 0 : i32
    %dma_start3A_336 = tpu.memref_slice %arg6[%dma_start3A_332, %dma_start3A_334, %dma_start3A_335] : memref<5x128x128xf32, #tpu.memory_space<vmem>> -> memref<1x128x128xf32, #tpu.memory_space<vmem>>
    %dma_start3A_337 = tpu.memref_squeeze %dma_start3A_336 : memref<1x128x128xf32, #tpu.memory_space<vmem>> -> memref<128x128xf32, #tpu.memory_space<vmem>>
    %dma_start3A_338 = arith.constant 0 : i32
    %dma_start3A_339 = tpu.memref_slice %arg4[%multiple_of3A_331, %dma_start3A_338] : memref<819200x128xf32, #tpu.memory_space<hbm>> -> memref<128x128xf32, #tpu.memory_space<hbm>>
    %dma_start3A_340 = tpu.memref_slice %arg8[%dma_start3A_333] : memref<5x!tpu.dma_semaphore, #tpu.memory_space<semaphore_mem>> -> memref<1x!tpu.dma_semaphore, #tpu.memory_space<semaphore_mem>>
    %dma_start3A_341 = tpu.memref_squeeze %dma_start3A_340 : memref<1x!tpu.dma_semaphore, #tpu.memory_space<semaphore_mem>> -> memref<!tpu.dma_semaphore, #tpu.memory_space<semaphore_mem>>
    %dma_start3A_342 = arith.constant 0 : i32
    %dma_start3A_343 = tpu.memref_slice %arg4[%multiple_of3A_331, %dma_start3A_342] : memref<819200x128xf32, #tpu.memory_space<hbm>> -> memref<128x128xf32, #tpu.memory_space<hbm>>
    %dma_start3A_344 = arith.constant 0 : i32
    %dma_start3A_345 = arith.constant 0 : i32
    %dma_start3A_346 = tpu.memref_slice %arg6[%dma_start3A_332, %dma_start3A_344, %dma_start3A_345] : memref<5x128x128xf32, #tpu.memory_space<vmem>> -> memref<1x128x128xf32, #tpu.memory_space<vmem>>
    %dma_start3A_347 = tpu.memref_squeeze %dma_start3A_346 : memref<1x128x128xf32, #tpu.memory_space<vmem>> -> memref<128x128xf32, #tpu.memory_space<vmem>>
    tpu.enqueue_dma source(%dma_start3A_347 : memref<128x128xf32, #tpu.memory_space<vmem>>) target(%dma_start3A_343 : memref<128x128xf32, #tpu.memory_space<hbm>>) target_semaphore(%dma_start3A_341 : memref<!tpu.dma_semaphore, #tpu.memory_space<semaphore_mem>>)
    %add3A_348 = arith.constant 384 : i32
    %add3A_349 = arith.addi %multiple_of3A, %add3A_348 : i32
    %multiple_of3A_350 = tpu.assume_multiple %add3A_349, 128 : i32
    %dma_wait3A_351 = arith.constant 3 : i32
    %dma_wait3A_352 = arith.constant 3 : i32
    %dma_wait3A_353 = arith.constant 0 : i32
    %dma_wait3A_354 = arith.constant 0 : i32
    %dma_wait3A_355 = tpu.memref_slice %arg6[%dma_wait3A_351, %dma_wait3A_353, %dma_wait3A_354] : memref<5x128x128xf32, #tpu.memory_space<vmem>> -> memref<1x128x128xf32, #tpu.memory_space<vmem>>
    %dma_wait3A_356 = tpu.memref_squeeze %dma_wait3A_355 : memref<1x128x128xf32, #tpu.memory_space<vmem>> -> memref<128x128xf32, #tpu.memory_space<vmem>>
    %dma_wait3A_357 = arith.constant 0 : i32
    %dma_wait3A_358 = tpu.memref_slice %arg4[%multiple_of3A_350, %dma_wait3A_357] : memref<819200x128xf32, #tpu.memory_space<hbm>> -> memref<128x128xf32, #tpu.memory_space<hbm>>
    %dma_wait3A_359 = tpu.memref_slice %arg8[%dma_wait3A_352] : memref<5x!tpu.dma_semaphore, #tpu.memory_space<semaphore_mem>> -> memref<1x!tpu.dma_semaphore, #tpu.memory_space<semaphore_mem>>
    %dma_wait3A_360 = tpu.memref_squeeze %dma_wait3A_359 : memref<1x!tpu.dma_semaphore, #tpu.memory_space<semaphore_mem>> -> memref<!tpu.dma_semaphore, #tpu.memory_space<semaphore_mem>>
    %dma_wait3A_361 = arith.constant 0 : i32
    %dma_wait3A_362 = tpu.memref_slice %arg4[%multiple_of3A_350, %dma_wait3A_361] : memref<819200x128xf32, #tpu.memory_space<hbm>> -> memref<128x128xf32, #tpu.memory_space<hbm>>
    %dma_wait3A_363 = arith.constant 0 : i32
    %dma_wait3A_364 = arith.constant 0 : i32
    %dma_wait3A_365 = tpu.memref_slice %arg6[%dma_wait3A_351, %dma_wait3A_363, %dma_wait3A_364] : memref<5x128x128xf32, #tpu.memory_space<vmem>> -> memref<1x128x128xf32, #tpu.memory_space<vmem>>
    %dma_wait3A_366 = tpu.memref_squeeze %dma_wait3A_365 : memref<1x128x128xf32, #tpu.memory_space<vmem>> -> memref<128x128xf32, #tpu.memory_space<vmem>>
    tpu.wait_dma2 semaphore(%dma_wait3A_360 : memref<!tpu.dma_semaphore, #tpu.memory_space<semaphore_mem>>) src(%dma_wait3A_366 : memref<128x128xf32, #tpu.memory_space<vmem>>) dst(%dma_wait3A_362 : memref<128x128xf32, #tpu.memory_space<hbm>>)
    %dma_start3A_367 = arith.constant 8 : i32
    %dma_start3A_368 = arith.constant 3 : i32
    %dma_start3A_369 = arith.constant 3 : i32
    %dma_start3A_370 = arith.constant 0 : i32
    %dma_start3A_371 = arith.constant 0 : i32
    %dma_start3A_372 = tpu.memref_slice %arg6[%dma_start3A_368, %dma_start3A_370, %dma_start3A_371] : memref<5x128x128xf32, #tpu.memory_space<vmem>> -> memref<1x128x128xf32, #tpu.memory_space<vmem>>
    %dma_start3A_373 = tpu.memref_squeeze %dma_start3A_372 : memref<1x128x128xf32, #tpu.memory_space<vmem>> -> memref<128x128xf32, #tpu.memory_space<vmem>>
    %dma_start3A_374 = arith.constant 0 : i32
    %dma_start3A_375 = tpu.memref_slice %arg5[%dma_start3A_367, %dma_start3A_374] : memref<200x128xi32, #tpu.memory_space<vmem>> -> memref<1x128xi32, #tpu.memory_space<vmem>>
    %dma_start3A_376 = tpu.memref_squeeze %dma_start3A_375 : memref<1x128xi32, #tpu.memory_space<vmem>> -> memref<128xi32, #tpu.memory_space<vmem>>
    %dma_start3A_377 = arith.constant 0 : i32
    %dma_start3A_378 = arith.constant 0 : i32
    %dma_start3A_379 = tpu.memref_slice %arg2[%dma_start3A_377, %dma_start3A_378] : memref<1000000x128xf32, #tpu.memory_space<hbm>> -> memref<1000000x128xf32, #tpu.memory_space<hbm>>
    %dma_start3A_380 = tpu.memref_slice %arg7[%dma_start3A_369] : memref<5x!tpu.dma_semaphore, #tpu.memory_space<semaphore_mem>> -> memref<1x!tpu.dma_semaphore, #tpu.memory_space<semaphore_mem>>
    %dma_start3A_381 = tpu.memref_squeeze %dma_start3A_380 : memref<1x!tpu.dma_semaphore, #tpu.memory_space<semaphore_mem>> -> memref<!tpu.dma_semaphore, #tpu.memory_space<semaphore_mem>>
    tpu.enqueue_indirect_dma source(%dma_start3A_379 : memref<1000000x128xf32, #tpu.memory_space<hbm>>) target(%dma_start3A_373 : memref<128x128xf32, #tpu.memory_space<vmem>>) offsets(%dma_start3A_376 : memref<128xi32, #tpu.memory_space<vmem>>) semaphore(%dma_start3A_381 : memref<!tpu.dma_semaphore, #tpu.memory_space<semaphore_mem>>)
    %scan3A = arith.constant 0 : i32
    %scan3A_382 = arith.constant 1 : i32
    %scan3A_383 = arith.constant 38 : i32
    %scan3A_384 = arith.addi %scan3A_382, %scan3A_383 : i32
    %scan3A_385 = arith.constant 1 : i32
    scf.for %scan3A_686 = %scan3A_382 to %scan3A_384 step %scan3A_385  : i32 {
      %mul3A_687 = arith.constant 5 : i32
      %mul3A_688 = arith.muli %scan3A_686, %mul3A_687 : i32
      %add3A_689 = arith.constant 0 : i32
      %add3A_690 = arith.addi %mul3A_688, %add3A_689 : i32
      %dma_wait3A_691 = arith.constant 0 : i32
      %dma_wait3A_692 = arith.constant 0 : i32
      %dma_wait3A_693 = arith.constant 0 : i32
      %dma_wait3A_694 = arith.constant 0 : i32
      %dma_wait3A_695 = tpu.memref_slice %arg6[%dma_wait3A_691, %dma_wait3A_693, %dma_wait3A_694] : memref<5x128x128xf32, #tpu.memory_space<vmem>> -> memref<1x128x128xf32, #tpu.memory_space<vmem>>
      %dma_wait3A_696 = tpu.memref_squeeze %dma_wait3A_695 : memref<1x128x128xf32, #tpu.memory_space<vmem>> -> memref<128x128xf32, #tpu.memory_space<vmem>>
      %dma_wait3A_697 = arith.constant 0 : i32
      %dma_wait3A_698 = tpu.memref_slice %arg5[%add3A_690, %dma_wait3A_697] : memref<200x128xi32, #tpu.memory_space<vmem>> -> memref<1x128xi32, #tpu.memory_space<vmem>>
      %dma_wait3A_699 = tpu.memref_squeeze %dma_wait3A_698 : memref<1x128xi32, #tpu.memory_space<vmem>> -> memref<128xi32, #tpu.memory_space<vmem>>
      %dma_wait3A_700 = arith.constant 0 : i32
      %dma_wait3A_701 = arith.constant 0 : i32
      %dma_wait3A_702 = tpu.memref_slice %arg2[%dma_wait3A_700, %dma_wait3A_701] : memref<1000000x128xf32, #tpu.memory_space<hbm>> -> memref<1000000x128xf32, #tpu.memory_space<hbm>>
      %dma_wait3A_703 = tpu.memref_slice %arg7[%dma_wait3A_692] : memref<5x!tpu.dma_semaphore, #tpu.memory_space<semaphore_mem>> -> memref<1x!tpu.dma_semaphore, #tpu.memory_space<semaphore_mem>>
      %dma_wait3A_704 = tpu.memref_squeeze %dma_wait3A_703 : memref<1x!tpu.dma_semaphore, #tpu.memory_space<semaphore_mem>> -> memref<!tpu.dma_semaphore, #tpu.memory_space<semaphore_mem>>
      tpu.wait_indirect_dma semaphore(%dma_wait3A_704 : memref<!tpu.dma_semaphore, #tpu.memory_space<semaphore_mem>>) src(%dma_wait3A_702 : memref<1000000x128xf32, #tpu.memory_space<hbm>>) dst(%dma_wait3A_696 : memref<128x128xf32, #tpu.memory_space<vmem>>)
      %mul3A_705 = arith.constant 128 : i32
      %mul3A_706 = arith.muli %add3A_690, %mul3A_705 : i32
      %add3A_707 = arith.addi %multiple_of3A, %mul3A_706 : i32
      %multiple_of3A_708 = tpu.assume_multiple %add3A_707, 128 : i32
      %dma_start3A_709 = arith.constant 0 : i32
      %dma_start3A_710 = arith.constant 0 : i32
      %dma_start3A_711 = arith.constant 0 : i32
      %dma_start3A_712 = arith.constant 0 : i32
      %dma_start3A_713 = tpu.memref_slice %arg6[%dma_start3A_709, %dma_start3A_711, %dma_start3A_712] : memref<5x128x128xf32, #tpu.memory_space<vmem>> -> memref<1x128x128xf32, #tpu.memory_space<vmem>>
      %dma_start3A_714 = tpu.memref_squeeze %dma_start3A_713 : memref<1x128x128xf32, #tpu.memory_space<vmem>> -> memref<128x128xf32, #tpu.memory_space<vmem>>
      %dma_start3A_715 = arith.constant 0 : i32
      %dma_start3A_716 = tpu.memref_slice %arg4[%multiple_of3A_708, %dma_start3A_715] : memref<819200x128xf32, #tpu.memory_space<hbm>> -> memref<128x128xf32, #tpu.memory_space<hbm>>
      %dma_start3A_717 = tpu.memref_slice %arg8[%dma_start3A_710] : memref<5x!tpu.dma_semaphore, #tpu.memory_space<semaphore_mem>> -> memref<1x!tpu.dma_semaphore, #tpu.memory_space<semaphore_mem>>
      %dma_start3A_718 = tpu.memref_squeeze %dma_start3A_717 : memref<1x!tpu.dma_semaphore, #tpu.memory_space<semaphore_mem>> -> memref<!tpu.dma_semaphore, #tpu.memory_space<semaphore_mem>>
      %dma_start3A_719 = arith.constant 0 : i32
      %dma_start3A_720 = tpu.memref_slice %arg4[%multiple_of3A_708, %dma_start3A_719] : memref<819200x128xf32, #tpu.memory_space<hbm>> -> memref<128x128xf32, #tpu.memory_space<hbm>>
      %dma_start3A_721 = arith.constant 0 : i32
      %dma_start3A_722 = arith.constant 0 : i32
      %dma_start3A_723 = tpu.memref_slice %arg6[%dma_start3A_709, %dma_start3A_721, %dma_start3A_722] : memref<5x128x128xf32, #tpu.memory_space<vmem>> -> memref<1x128x128xf32, #tpu.memory_space<vmem>>
      %dma_start3A_724 = tpu.memref_squeeze %dma_start3A_723 : memref<1x128x128xf32, #tpu.memory_space<vmem>> -> memref<128x128xf32, #tpu.memory_space<vmem>>
      tpu.enqueue_dma source(%dma_start3A_724 : memref<128x128xf32, #tpu.memory_space<vmem>>) target(%dma_start3A_720 : memref<128x128xf32, #tpu.memory_space<hbm>>) target_semaphore(%dma_start3A_718 : memref<!tpu.dma_semaphore, #tpu.memory_space<semaphore_mem>>)
      %sub3A = arith.constant 1 : i32
      %sub3A_725 = arith.subi %add3A_690, %sub3A : i32
      %mul3A_726 = arith.constant 128 : i32
      %mul3A_727 = arith.muli %sub3A_725, %mul3A_726 : i32
      %add3A_728 = arith.addi %multiple_of3A, %mul3A_727 : i32
      %multiple_of3A_729 = tpu.assume_multiple %add3A_728, 128 : i32
      %dma_wait3A_730 = arith.constant 4 : i32
      %dma_wait3A_731 = arith.constant 4 : i32
      %dma_wait3A_732 = arith.constant 0 : i32
      %dma_wait3A_733 = arith.constant 0 : i32
      %dma_wait3A_734 = tpu.memref_slice %arg6[%dma_wait3A_730, %dma_wait3A_732, %dma_wait3A_733] : memref<5x128x128xf32, #tpu.memory_space<vmem>> -> memref<1x128x128xf32, #tpu.memory_space<vmem>>
      %dma_wait3A_735 = tpu.memref_squeeze %dma_wait3A_734 : memref<1x128x128xf32, #tpu.memory_space<vmem>> -> memref<128x128xf32, #tpu.memory_space<vmem>>
      %dma_wait3A_736 = arith.constant 0 : i32
      %dma_wait3A_737 = tpu.memref_slice %arg4[%multiple_of3A_729, %dma_wait3A_736] : memref<819200x128xf32, #tpu.memory_space<hbm>> -> memref<128x128xf32, #tpu.memory_space<hbm>>
      %dma_wait3A_738 = tpu.memref_slice %arg8[%dma_wait3A_731] : memref<5x!tpu.dma_semaphore, #tpu.memory_space<semaphore_mem>> -> memref<1x!tpu.dma_semaphore, #tpu.memory_space<semaphore_mem>>
      %dma_wait3A_739 = tpu.memref_squeeze %dma_wait3A_738 : memref<1x!tpu.dma_semaphore, #tpu.memory_space<semaphore_mem>> -> memref<!tpu.dma_semaphore, #tpu.memory_space<semaphore_mem>>
      %dma_wait3A_740 = arith.constant 0 : i32
      %dma_wait3A_741 = tpu.memref_slice %arg4[%multiple_of3A_729, %dma_wait3A_740] : memref<819200x128xf32, #tpu.memory_space<hbm>> -> memref<128x128xf32, #tpu.memory_space<hbm>>
      %dma_wait3A_742 = arith.constant 0 : i32
      %dma_wait3A_743 = arith.constant 0 : i32
      %dma_wait3A_744 = tpu.memref_slice %arg6[%dma_wait3A_730, %dma_wait3A_742, %dma_wait3A_743] : memref<5x128x128xf32, #tpu.memory_space<vmem>> -> memref<1x128x128xf32, #tpu.memory_space<vmem>>
      %dma_wait3A_745 = tpu.memref_squeeze %dma_wait3A_744 : memref<1x128x128xf32, #tpu.memory_space<vmem>> -> memref<128x128xf32, #tpu.memory_space<vmem>>
      tpu.wait_dma2 semaphore(%dma_wait3A_739 : memref<!tpu.dma_semaphore, #tpu.memory_space<semaphore_mem>>) src(%dma_wait3A_745 : memref<128x128xf32, #tpu.memory_space<vmem>>) dst(%dma_wait3A_741 : memref<128x128xf32, #tpu.memory_space<hbm>>)
      %add3A_746 = arith.constant 5 : i32
      %add3A_747 = arith.addi %add3A_690, %add3A_746 : i32
      %sub3A_748 = arith.constant 1 : i32
      %sub3A_749 = arith.subi %add3A_747, %sub3A_748 : i32
      %dma_start3A_750 = arith.constant 4 : i32
      %dma_start3A_751 = arith.constant 4 : i32
      %dma_start3A_752 = arith.constant 0 : i32
      %dma_start3A_753 = arith.constant 0 : i32
      %dma_start3A_754 = tpu.memref_slice %arg6[%dma_start3A_750, %dma_start3A_752, %dma_start3A_753] : memref<5x128x128xf32, #tpu.memory_space<vmem>> -> memref<1x128x128xf32, #tpu.memory_space<vmem>>
      %dma_start3A_755 = tpu.memref_squeeze %dma_start3A_754 : memref<1x128x128xf32, #tpu.memory_space<vmem>> -> memref<128x128xf32, #tpu.memory_space<vmem>>
      %dma_start3A_756 = arith.constant 0 : i32
      %dma_start3A_757 = tpu.memref_slice %arg5[%sub3A_749, %dma_start3A_756] : memref<200x128xi32, #tpu.memory_space<vmem>> -> memref<1x128xi32, #tpu.memory_space<vmem>>
      %dma_start3A_758 = tpu.memref_squeeze %dma_start3A_757 : memref<1x128xi32, #tpu.memory_space<vmem>> -> memref<128xi32, #tpu.memory_space<vmem>>
      %dma_start3A_759 = arith.constant 0 : i32
      %dma_start3A_760 = arith.constant 0 : i32
      %dma_start3A_761 = tpu.memref_slice %arg2[%dma_start3A_759, %dma_start3A_760] : memref<1000000x128xf32, #tpu.memory_space<hbm>> -> memref<1000000x128xf32, #tpu.memory_space<hbm>>
      %dma_start3A_762 = tpu.memref_slice %arg7[%dma_start3A_751] : memref<5x!tpu.dma_semaphore, #tpu.memory_space<semaphore_mem>> -> memref<1x!tpu.dma_semaphore, #tpu.memory_space<semaphore_mem>>
      %dma_start3A_763 = tpu.memref_squeeze %dma_start3A_762 : memref<1x!tpu.dma_semaphore, #tpu.memory_space<semaphore_mem>> -> memref<!tpu.dma_semaphore, #tpu.memory_space<semaphore_mem>>
      tpu.enqueue_indirect_dma source(%dma_start3A_761 : memref<1000000x128xf32, #tpu.memory_space<hbm>>) target(%dma_start3A_755 : memref<128x128xf32, #tpu.memory_space<vmem>>) offsets(%dma_start3A_758 : memref<128xi32, #tpu.memory_space<vmem>>) semaphore(%dma_start3A_763 : memref<!tpu.dma_semaphore, #tpu.memory_space<semaphore_mem>>)
      %mul3A_764 = arith.constant 5 : i32
      %mul3A_765 = arith.muli %scan3A_686, %mul3A_764 : i32
      %add3A_766 = arith.constant 1 : i32
      %add3A_767 = arith.addi %mul3A_765, %add3A_766 : i32
      %dma_wait3A_768 = arith.constant 1 : i32
      %dma_wait3A_769 = arith.constant 1 : i32
      %dma_wait3A_770 = arith.constant 0 : i32
      %dma_wait3A_771 = arith.constant 0 : i32
      %dma_wait3A_772 = tpu.memref_slice %arg6[%dma_wait3A_768, %dma_wait3A_770, %dma_wait3A_771] : memref<5x128x128xf32, #tpu.memory_space<vmem>> -> memref<1x128x128xf32, #tpu.memory_space<vmem>>
      %dma_wait3A_773 = tpu.memref_squeeze %dma_wait3A_772 : memref<1x128x128xf32, #tpu.memory_space<vmem>> -> memref<128x128xf32, #tpu.memory_space<vmem>>
      %dma_wait3A_774 = arith.constant 0 : i32
      %dma_wait3A_775 = tpu.memref_slice %arg5[%add3A_767, %dma_wait3A_774] : memref<200x128xi32, #tpu.memory_space<vmem>> -> memref<1x128xi32, #tpu.memory_space<vmem>>
      %dma_wait3A_776 = tpu.memref_squeeze %dma_wait3A_775 : memref<1x128xi32, #tpu.memory_space<vmem>> -> memref<128xi32, #tpu.memory_space<vmem>>
      %dma_wait3A_777 = arith.constant 0 : i32
      %dma_wait3A_778 = arith.constant 0 : i32
      %dma_wait3A_779 = tpu.memref_slice %arg2[%dma_wait3A_777, %dma_wait3A_778] : memref<1000000x128xf32, #tpu.memory_space<hbm>> -> memref<1000000x128xf32, #tpu.memory_space<hbm>>
      %dma_wait3A_780 = tpu.memref_slice %arg7[%dma_wait3A_769] : memref<5x!tpu.dma_semaphore, #tpu.memory_space<semaphore_mem>> -> memref<1x!tpu.dma_semaphore, #tpu.memory_space<semaphore_mem>>
      %dma_wait3A_781 = tpu.memref_squeeze %dma_wait3A_780 : memref<1x!tpu.dma_semaphore, #tpu.memory_space<semaphore_mem>> -> memref<!tpu.dma_semaphore, #tpu.memory_space<semaphore_mem>>
      tpu.wait_indirect_dma semaphore(%dma_wait3A_781 : memref<!tpu.dma_semaphore, #tpu.memory_space<semaphore_mem>>) src(%dma_wait3A_779 : memref<1000000x128xf32, #tpu.memory_space<hbm>>) dst(%dma_wait3A_773 : memref<128x128xf32, #tpu.memory_space<vmem>>)
      %mul3A_782 = arith.constant 128 : i32
      %mul3A_783 = arith.muli %add3A_767, %mul3A_782 : i32
      %add3A_784 = arith.addi %multiple_of3A, %mul3A_783 : i32
      %multiple_of3A_785 = tpu.assume_multiple %add3A_784, 128 : i32
      %dma_start3A_786 = arith.constant 1 : i32
      %dma_start3A_787 = arith.constant 1 : i32
      %dma_start3A_788 = arith.constant 0 : i32
      %dma_start3A_789 = arith.constant 0 : i32
      %dma_start3A_790 = tpu.memref_slice %arg6[%dma_start3A_786, %dma_start3A_788, %dma_start3A_789] : memref<5x128x128xf32, #tpu.memory_space<vmem>> -> memref<1x128x128xf32, #tpu.memory_space<vmem>>
      %dma_start3A_791 = tpu.memref_squeeze %dma_start3A_790 : memref<1x128x128xf32, #tpu.memory_space<vmem>> -> memref<128x128xf32, #tpu.memory_space<vmem>>
      %dma_start3A_792 = arith.constant 0 : i32
      %dma_start3A_793 = tpu.memref_slice %arg4[%multiple_of3A_785, %dma_start3A_792] : memref<819200x128xf32, #tpu.memory_space<hbm>> -> memref<128x128xf32, #tpu.memory_space<hbm>>
      %dma_start3A_794 = tpu.memref_slice %arg8[%dma_start3A_787] : memref<5x!tpu.dma_semaphore, #tpu.memory_space<semaphore_mem>> -> memref<1x!tpu.dma_semaphore, #tpu.memory_space<semaphore_mem>>
      %dma_start3A_795 = tpu.memref_squeeze %dma_start3A_794 : memref<1x!tpu.dma_semaphore, #tpu.memory_space<semaphore_mem>> -> memref<!tpu.dma_semaphore, #tpu.memory_space<semaphore_mem>>
      %dma_start3A_796 = arith.constant 0 : i32
      %dma_start3A_797 = tpu.memref_slice %arg4[%multiple_of3A_785, %dma_start3A_796] : memref<819200x128xf32, #tpu.memory_space<hbm>> -> memref<128x128xf32, #tpu.memory_space<hbm>>
      %dma_start3A_798 = arith.constant 0 : i32
      %dma_start3A_799 = arith.constant 0 : i32
      %dma_start3A_800 = tpu.memref_slice %arg6[%dma_start3A_786, %dma_start3A_798, %dma_start3A_799] : memref<5x128x128xf32, #tpu.memory_space<vmem>> -> memref<1x128x128xf32, #tpu.memory_space<vmem>>
      %dma_start3A_801 = tpu.memref_squeeze %dma_start3A_800 : memref<1x128x128xf32, #tpu.memory_space<vmem>> -> memref<128x128xf32, #tpu.memory_space<vmem>>
      tpu.enqueue_dma source(%dma_start3A_801 : memref<128x128xf32, #tpu.memory_space<vmem>>) target(%dma_start3A_797 : memref<128x128xf32, #tpu.memory_space<hbm>>) target_semaphore(%dma_start3A_795 : memref<!tpu.dma_semaphore, #tpu.memory_space<semaphore_mem>>)
      %sub3A_802 = arith.constant 1 : i32
      %sub3A_803 = arith.subi %add3A_767, %sub3A_802 : i32
      %mul3A_804 = arith.constant 128 : i32
      %mul3A_805 = arith.muli %sub3A_803, %mul3A_804 : i32
      %add3A_806 = arith.addi %multiple_of3A, %mul3A_805 : i32
      %multiple_of3A_807 = tpu.assume_multiple %add3A_806, 128 : i32
      %dma_wait3A_808 = arith.constant 0 : i32
      %dma_wait3A_809 = arith.constant 0 : i32
      %dma_wait3A_810 = arith.constant 0 : i32
      %dma_wait3A_811 = arith.constant 0 : i32
      %dma_wait3A_812 = tpu.memref_slice %arg6[%dma_wait3A_808, %dma_wait3A_810, %dma_wait3A_811] : memref<5x128x128xf32, #tpu.memory_space<vmem>> -> memref<1x128x128xf32, #tpu.memory_space<vmem>>
      %dma_wait3A_813 = tpu.memref_squeeze %dma_wait3A_812 : memref<1x128x128xf32, #tpu.memory_space<vmem>> -> memref<128x128xf32, #tpu.memory_space<vmem>>
      %dma_wait3A_814 = arith.constant 0 : i32
      %dma_wait3A_815 = tpu.memref_slice %arg4[%multiple_of3A_807, %dma_wait3A_814] : memref<819200x128xf32, #tpu.memory_space<hbm>> -> memref<128x128xf32, #tpu.memory_space<hbm>>
      %dma_wait3A_816 = tpu.memref_slice %arg8[%dma_wait3A_809] : memref<5x!tpu.dma_semaphore, #tpu.memory_space<semaphore_mem>> -> memref<1x!tpu.dma_semaphore, #tpu.memory_space<semaphore_mem>>
      %dma_wait3A_817 = tpu.memref_squeeze %dma_wait3A_816 : memref<1x!tpu.dma_semaphore, #tpu.memory_space<semaphore_mem>> -> memref<!tpu.dma_semaphore, #tpu.memory_space<semaphore_mem>>
      %dma_wait3A_818 = arith.constant 0 : i32
      %dma_wait3A_819 = tpu.memref_slice %arg4[%multiple_of3A_807, %dma_wait3A_818] : memref<819200x128xf32, #tpu.memory_space<hbm>> -> memref<128x128xf32, #tpu.memory_space<hbm>>
      %dma_wait3A_820 = arith.constant 0 : i32
      %dma_wait3A_821 = arith.constant 0 : i32
      %dma_wait3A_822 = tpu.memref_slice %arg6[%dma_wait3A_808, %dma_wait3A_820, %dma_wait3A_821] : memref<5x128x128xf32, #tpu.memory_space<vmem>> -> memref<1x128x128xf32, #tpu.memory_space<vmem>>
      %dma_wait3A_823 = tpu.memref_squeeze %dma_wait3A_822 : memref<1x128x128xf32, #tpu.memory_space<vmem>> -> memref<128x128xf32, #tpu.memory_space<vmem>>
      tpu.wait_dma2 semaphore(%dma_wait3A_817 : memref<!tpu.dma_semaphore, #tpu.memory_space<semaphore_mem>>) src(%dma_wait3A_823 : memref<128x128xf32, #tpu.memory_space<vmem>>) dst(%dma_wait3A_819 : memref<128x128xf32, #tpu.memory_space<hbm>>)
      %add3A_824 = arith.constant 5 : i32
      %add3A_825 = arith.addi %add3A_767, %add3A_824 : i32
      %sub3A_826 = arith.constant 1 : i32
      %sub3A_827 = arith.subi %add3A_825, %sub3A_826 : i32
      %dma_start3A_828 = arith.constant 0 : i32
      %dma_start3A_829 = arith.constant 0 : i32
      %dma_start3A_830 = arith.constant 0 : i32
      %dma_start3A_831 = arith.constant 0 : i32
      %dma_start3A_832 = tpu.memref_slice %arg6[%dma_start3A_828, %dma_start3A_830, %dma_start3A_831] : memref<5x128x128xf32, #tpu.memory_space<vmem>> -> memref<1x128x128xf32, #tpu.memory_space<vmem>>
      %dma_start3A_833 = tpu.memref_squeeze %dma_start3A_832 : memref<1x128x128xf32, #tpu.memory_space<vmem>> -> memref<128x128xf32, #tpu.memory_space<vmem>>
      %dma_start3A_834 = arith.constant 0 : i32
      %dma_start3A_835 = tpu.memref_slice %arg5[%sub3A_827, %dma_start3A_834] : memref<200x128xi32, #tpu.memory_space<vmem>> -> memref<1x128xi32, #tpu.memory_space<vmem>>
      %dma_start3A_836 = tpu.memref_squeeze %dma_start3A_835 : memref<1x128xi32, #tpu.memory_space<vmem>> -> memref<128xi32, #tpu.memory_space<vmem>>
      %dma_start3A_837 = arith.constant 0 : i32
      %dma_start3A_838 = arith.constant 0 : i32
      %dma_start3A_839 = tpu.memref_slice %arg2[%dma_start3A_837, %dma_start3A_838] : memref<1000000x128xf32, #tpu.memory_space<hbm>> -> memref<1000000x128xf32, #tpu.memory_space<hbm>>
      %dma_start3A_840 = tpu.memref_slice %arg7[%dma_start3A_829] : memref<5x!tpu.dma_semaphore, #tpu.memory_space<semaphore_mem>> -> memref<1x!tpu.dma_semaphore, #tpu.memory_space<semaphore_mem>>
      %dma_start3A_841 = tpu.memref_squeeze %dma_start3A_840 : memref<1x!tpu.dma_semaphore, #tpu.memory_space<semaphore_mem>> -> memref<!tpu.dma_semaphore, #tpu.memory_space<semaphore_mem>>
      tpu.enqueue_indirect_dma source(%dma_start3A_839 : memref<1000000x128xf32, #tpu.memory_space<hbm>>) target(%dma_start3A_833 : memref<128x128xf32, #tpu.memory_space<vmem>>) offsets(%dma_start3A_836 : memref<128xi32, #tpu.memory_space<vmem>>) semaphore(%dma_start3A_841 : memref<!tpu.dma_semaphore, #tpu.memory_space<semaphore_mem>>)
      %mul3A_842 = arith.constant 5 : i32
      %mul3A_843 = arith.muli %scan3A_686, %mul3A_842 : i32
      %add3A_844 = arith.constant 2 : i32
      %add3A_845 = arith.addi %mul3A_843, %add3A_844 : i32
      %dma_wait3A_846 = arith.constant 2 : i32
      %dma_wait3A_847 = arith.constant 2 : i32
      %dma_wait3A_848 = arith.constant 0 : i32
      %dma_wait3A_849 = arith.constant 0 : i32
      %dma_wait3A_850 = tpu.memref_slice %arg6[%dma_wait3A_846, %dma_wait3A_848, %dma_wait3A_849] : memref<5x128x128xf32, #tpu.memory_space<vmem>> -> memref<1x128x128xf32, #tpu.memory_space<vmem>>
      %dma_wait3A_851 = tpu.memref_squeeze %dma_wait3A_850 : memref<1x128x128xf32, #tpu.memory_space<vmem>> -> memref<128x128xf32, #tpu.memory_space<vmem>>
      %dma_wait3A_852 = arith.constant 0 : i32
      %dma_wait3A_853 = tpu.memref_slice %arg5[%add3A_845, %dma_wait3A_852] : memref<200x128xi32, #tpu.memory_space<vmem>> -> memref<1x128xi32, #tpu.memory_space<vmem>>
      %dma_wait3A_854 = tpu.memref_squeeze %dma_wait3A_853 : memref<1x128xi32, #tpu.memory_space<vmem>> -> memref<128xi32, #tpu.memory_space<vmem>>
      %dma_wait3A_855 = arith.constant 0 : i32
      %dma_wait3A_856 = arith.constant 0 : i32
      %dma_wait3A_857 = tpu.memref_slice %arg2[%dma_wait3A_855, %dma_wait3A_856] : memref<1000000x128xf32, #tpu.memory_space<hbm>> -> memref<1000000x128xf32, #tpu.memory_space<hbm>>
      %dma_wait3A_858 = tpu.memref_slice %arg7[%dma_wait3A_847] : memref<5x!tpu.dma_semaphore, #tpu.memory_space<semaphore_mem>> -> memref<1x!tpu.dma_semaphore, #tpu.memory_space<semaphore_mem>>
      %dma_wait3A_859 = tpu.memref_squeeze %dma_wait3A_858 : memref<1x!tpu.dma_semaphore, #tpu.memory_space<semaphore_mem>> -> memref<!tpu.dma_semaphore, #tpu.memory_space<semaphore_mem>>
      tpu.wait_indirect_dma semaphore(%dma_wait3A_859 : memref<!tpu.dma_semaphore, #tpu.memory_space<semaphore_mem>>) src(%dma_wait3A_857 : memref<1000000x128xf32, #tpu.memory_space<hbm>>) dst(%dma_wait3A_851 : memref<128x128xf32, #tpu.memory_space<vmem>>)
      %mul3A_860 = arith.constant 128 : i32
      %mul3A_861 = arith.muli %add3A_845, %mul3A_860 : i32
      %add3A_862 = arith.addi %multiple_of3A, %mul3A_861 : i32
      %multiple_of3A_863 = tpu.assume_multiple %add3A_862, 128 : i32
      %dma_start3A_864 = arith.constant 2 : i32
      %dma_start3A_865 = arith.constant 2 : i32
      %dma_start3A_866 = arith.constant 0 : i32
      %dma_start3A_867 = arith.constant 0 : i32
      %dma_start3A_868 = tpu.memref_slice %arg6[%dma_start3A_864, %dma_start3A_866, %dma_start3A_867] : memref<5x128x128xf32, #tpu.memory_space<vmem>> -> memref<1x128x128xf32, #tpu.memory_space<vmem>>
      %dma_start3A_869 = tpu.memref_squeeze %dma_start3A_868 : memref<1x128x128xf32, #tpu.memory_space<vmem>> -> memref<128x128xf32, #tpu.memory_space<vmem>>
      %dma_start3A_870 = arith.constant 0 : i32
      %dma_start3A_871 = tpu.memref_slice %arg4[%multiple_of3A_863, %dma_start3A_870] : memref<819200x128xf32, #tpu.memory_space<hbm>> -> memref<128x128xf32, #tpu.memory_space<hbm>>
      %dma_start3A_872 = tpu.memref_slice %arg8[%dma_start3A_865] : memref<5x!tpu.dma_semaphore, #tpu.memory_space<semaphore_mem>> -> memref<1x!tpu.dma_semaphore, #tpu.memory_space<semaphore_mem>>
      %dma_start3A_873 = tpu.memref_squeeze %dma_start3A_872 : memref<1x!tpu.dma_semaphore, #tpu.memory_space<semaphore_mem>> -> memref<!tpu.dma_semaphore, #tpu.memory_space<semaphore_mem>>
      %dma_start3A_874 = arith.constant 0 : i32
      %dma_start3A_875 = tpu.memref_slice %arg4[%multiple_of3A_863, %dma_start3A_874] : memref<819200x128xf32, #tpu.memory_space<hbm>> -> memref<128x128xf32, #tpu.memory_space<hbm>>
      %dma_start3A_876 = arith.constant 0 : i32
      %dma_start3A_877 = arith.constant 0 : i32
      %dma_start3A_878 = tpu.memref_slice %arg6[%dma_start3A_864, %dma_start3A_876, %dma_start3A_877] : memref<5x128x128xf32, #tpu.memory_space<vmem>> -> memref<1x128x128xf32, #tpu.memory_space<vmem>>
      %dma_start3A_879 = tpu.memref_squeeze %dma_start3A_878 : memref<1x128x128xf32, #tpu.memory_space<vmem>> -> memref<128x128xf32, #tpu.memory_space<vmem>>
      tpu.enqueue_dma source(%dma_start3A_879 : memref<128x128xf32, #tpu.memory_space<vmem>>) target(%dma_start3A_875 : memref<128x128xf32, #tpu.memory_space<hbm>>) target_semaphore(%dma_start3A_873 : memref<!tpu.dma_semaphore, #tpu.memory_space<semaphore_mem>>)
      %sub3A_880 = arith.constant 1 : i32
      %sub3A_881 = arith.subi %add3A_845, %sub3A_880 : i32
      %mul3A_882 = arith.constant 128 : i32
      %mul3A_883 = arith.muli %sub3A_881, %mul3A_882 : i32
      %add3A_884 = arith.addi %multiple_of3A, %mul3A_883 : i32
      %multiple_of3A_885 = tpu.assume_multiple %add3A_884, 128 : i32
      %dma_wait3A_886 = arith.constant 1 : i32
      %dma_wait3A_887 = arith.constant 1 : i32
      %dma_wait3A_888 = arith.constant 0 : i32
      %dma_wait3A_889 = arith.constant 0 : i32
      %dma_wait3A_890 = tpu.memref_slice %arg6[%dma_wait3A_886, %dma_wait3A_888, %dma_wait3A_889] : memref<5x128x128xf32, #tpu.memory_space<vmem>> -> memref<1x128x128xf32, #tpu.memory_space<vmem>>
      %dma_wait3A_891 = tpu.memref_squeeze %dma_wait3A_890 : memref<1x128x128xf32, #tpu.memory_space<vmem>> -> memref<128x128xf32, #tpu.memory_space<vmem>>
      %dma_wait3A_892 = arith.constant 0 : i32
      %dma_wait3A_893 = tpu.memref_slice %arg4[%multiple_of3A_885, %dma_wait3A_892] : memref<819200x128xf32, #tpu.memory_space<hbm>> -> memref<128x128xf32, #tpu.memory_space<hbm>>
      %dma_wait3A_894 = tpu.memref_slice %arg8[%dma_wait3A_887] : memref<5x!tpu.dma_semaphore, #tpu.memory_space<semaphore_mem>> -> memref<1x!tpu.dma_semaphore, #tpu.memory_space<semaphore_mem>>
      %dma_wait3A_895 = tpu.memref_squeeze %dma_wait3A_894 : memref<1x!tpu.dma_semaphore, #tpu.memory_space<semaphore_mem>> -> memref<!tpu.dma_semaphore, #tpu.memory_space<semaphore_mem>>
      %dma_wait3A_896 = arith.constant 0 : i32
      %dma_wait3A_897 = tpu.memref_slice %arg4[%multiple_of3A_885, %dma_wait3A_896] : memref<819200x128xf32, #tpu.memory_space<hbm>> -> memref<128x128xf32, #tpu.memory_space<hbm>>
      %dma_wait3A_898 = arith.constant 0 : i32
      %dma_wait3A_899 = arith.constant 0 : i32
      %dma_wait3A_900 = tpu.memref_slice %arg6[%dma_wait3A_886, %dma_wait3A_898, %dma_wait3A_899] : memref<5x128x128xf32, #tpu.memory_space<vmem>> -> memref<1x128x128xf32, #tpu.memory_space<vmem>>
      %dma_wait3A_901 = tpu.memref_squeeze %dma_wait3A_900 : memref<1x128x128xf32, #tpu.memory_space<vmem>> -> memref<128x128xf32, #tpu.memory_space<vmem>>
      tpu.wait_dma2 semaphore(%dma_wait3A_895 : memref<!tpu.dma_semaphore, #tpu.memory_space<semaphore_mem>>) src(%dma_wait3A_901 : memref<128x128xf32, #tpu.memory_space<vmem>>) dst(%dma_wait3A_897 : memref<128x128xf32, #tpu.memory_space<hbm>>)
      %add3A_902 = arith.constant 5 : i32
      %add3A_903 = arith.addi %add3A_845, %add3A_902 : i32
      %sub3A_904 = arith.constant 1 : i32
      %sub3A_905 = arith.subi %add3A_903, %sub3A_904 : i32
      %dma_start3A_906 = arith.constant 1 : i32
      %dma_start3A_907 = arith.constant 1 : i32
      %dma_start3A_908 = arith.constant 0 : i32
      %dma_start3A_909 = arith.constant 0 : i32
      %dma_start3A_910 = tpu.memref_slice %arg6[%dma_start3A_906, %dma_start3A_908, %dma_start3A_909] : memref<5x128x128xf32, #tpu.memory_space<vmem>> -> memref<1x128x128xf32, #tpu.memory_space<vmem>>
      %dma_start3A_911 = tpu.memref_squeeze %dma_start3A_910 : memref<1x128x128xf32, #tpu.memory_space<vmem>> -> memref<128x128xf32, #tpu.memory_space<vmem>>
      %dma_start3A_912 = arith.constant 0 : i32
      %dma_start3A_913 = tpu.memref_slice %arg5[%sub3A_905, %dma_start3A_912] : memref<200x128xi32, #tpu.memory_space<vmem>> -> memref<1x128xi32, #tpu.memory_space<vmem>>
      %dma_start3A_914 = tpu.memref_squeeze %dma_start3A_913 : memref<1x128xi32, #tpu.memory_space<vmem>> -> memref<128xi32, #tpu.memory_space<vmem>>
      %dma_start3A_915 = arith.constant 0 : i32
      %dma_start3A_916 = arith.constant 0 : i32
      %dma_start3A_917 = tpu.memref_slice %arg2[%dma_start3A_915, %dma_start3A_916] : memref<1000000x128xf32, #tpu.memory_space<hbm>> -> memref<1000000x128xf32, #tpu.memory_space<hbm>>
      %dma_start3A_918 = tpu.memref_slice %arg7[%dma_start3A_907] : memref<5x!tpu.dma_semaphore, #tpu.memory_space<semaphore_mem>> -> memref<1x!tpu.dma_semaphore, #tpu.memory_space<semaphore_mem>>
      %dma_start3A_919 = tpu.memref_squeeze %dma_start3A_918 : memref<1x!tpu.dma_semaphore, #tpu.memory_space<semaphore_mem>> -> memref<!tpu.dma_semaphore, #tpu.memory_space<semaphore_mem>>
      tpu.enqueue_indirect_dma source(%dma_start3A_917 : memref<1000000x128xf32, #tpu.memory_space<hbm>>) target(%dma_start3A_911 : memref<128x128xf32, #tpu.memory_space<vmem>>) offsets(%dma_start3A_914 : memref<128xi32, #tpu.memory_space<vmem>>) semaphore(%dma_start3A_919 : memref<!tpu.dma_semaphore, #tpu.memory_space<semaphore_mem>>)
      %mul3A_920 = arith.constant 5 : i32
      %mul3A_921 = arith.muli %scan3A_686, %mul3A_920 : i32
      %add3A_922 = arith.constant 3 : i32
      %add3A_923 = arith.addi %mul3A_921, %add3A_922 : i32
      %dma_wait3A_924 = arith.constant 3 : i32
      %dma_wait3A_925 = arith.constant 3 : i32
      %dma_wait3A_926 = arith.constant 0 : i32
      %dma_wait3A_927 = arith.constant 0 : i32
      %dma_wait3A_928 = tpu.memref_slice %arg6[%dma_wait3A_924, %dma_wait3A_926, %dma_wait3A_927] : memref<5x128x128xf32, #tpu.memory_space<vmem>> -> memref<1x128x128xf32, #tpu.memory_space<vmem>>
      %dma_wait3A_929 = tpu.memref_squeeze %dma_wait3A_928 : memref<1x128x128xf32, #tpu.memory_space<vmem>> -> memref<128x128xf32, #tpu.memory_space<vmem>>
      %dma_wait3A_930 = arith.constant 0 : i32
      %dma_wait3A_931 = tpu.memref_slice %arg5[%add3A_923, %dma_wait3A_930] : memref<200x128xi32, #tpu.memory_space<vmem>> -> memref<1x128xi32, #tpu.memory_space<vmem>>
      %dma_wait3A_932 = tpu.memref_squeeze %dma_wait3A_931 : memref<1x128xi32, #tpu.memory_space<vmem>> -> memref<128xi32, #tpu.memory_space<vmem>>
      %dma_wait3A_933 = arith.constant 0 : i32
      %dma_wait3A_934 = arith.constant 0 : i32
      %dma_wait3A_935 = tpu.memref_slice %arg2[%dma_wait3A_933, %dma_wait3A_934] : memref<1000000x128xf32, #tpu.memory_space<hbm>> -> memref<1000000x128xf32, #tpu.memory_space<hbm>>
      %dma_wait3A_936 = tpu.memref_slice %arg7[%dma_wait3A_925] : memref<5x!tpu.dma_semaphore, #tpu.memory_space<semaphore_mem>> -> memref<1x!tpu.dma_semaphore, #tpu.memory_space<semaphore_mem>>
      %dma_wait3A_937 = tpu.memref_squeeze %dma_wait3A_936 : memref<1x!tpu.dma_semaphore, #tpu.memory_space<semaphore_mem>> -> memref<!tpu.dma_semaphore, #tpu.memory_space<semaphore_mem>>
      tpu.wait_indirect_dma semaphore(%dma_wait3A_937 : memref<!tpu.dma_semaphore, #tpu.memory_space<semaphore_mem>>) src(%dma_wait3A_935 : memref<1000000x128xf32, #tpu.memory_space<hbm>>) dst(%dma_wait3A_929 : memref<128x128xf32, #tpu.memory_space<vmem>>)
      %mul3A_938 = arith.constant 128 : i32
      %mul3A_939 = arith.muli %add3A_923, %mul3A_938 : i32
      %add3A_940 = arith.addi %multiple_of3A, %mul3A_939 : i32
      %multiple_of3A_941 = tpu.assume_multiple %add3A_940, 128 : i32
      %dma_start3A_942 = arith.constant 3 : i32
      %dma_start3A_943 = arith.constant 3 : i32
      %dma_start3A_944 = arith.constant 0 : i32
      %dma_start3A_945 = arith.constant 0 : i32
      %dma_start3A_946 = tpu.memref_slice %arg6[%dma_start3A_942, %dma_start3A_944, %dma_start3A_945] : memref<5x128x128xf32, #tpu.memory_space<vmem>> -> memref<1x128x128xf32, #tpu.memory_space<vmem>>
      %dma_start3A_947 = tpu.memref_squeeze %dma_start3A_946 : memref<1x128x128xf32, #tpu.memory_space<vmem>> -> memref<128x128xf32, #tpu.memory_space<vmem>>
      %dma_start3A_948 = arith.constant 0 : i32
      %dma_start3A_949 = tpu.memref_slice %arg4[%multiple_of3A_941, %dma_start3A_948] : memref<819200x128xf32, #tpu.memory_space<hbm>> -> memref<128x128xf32, #tpu.memory_space<hbm>>
      %dma_start3A_950 = tpu.memref_slice %arg8[%dma_start3A_943] : memref<5x!tpu.dma_semaphore, #tpu.memory_space<semaphore_mem>> -> memref<1x!tpu.dma_semaphore, #tpu.memory_space<semaphore_mem>>
      %dma_start3A_951 = tpu.memref_squeeze %dma_start3A_950 : memref<1x!tpu.dma_semaphore, #tpu.memory_space<semaphore_mem>> -> memref<!tpu.dma_semaphore, #tpu.memory_space<semaphore_mem>>
      %dma_start3A_952 = arith.constant 0 : i32
      %dma_start3A_953 = tpu.memref_slice %arg4[%multiple_of3A_941, %dma_start3A_952] : memref<819200x128xf32, #tpu.memory_space<hbm>> -> memref<128x128xf32, #tpu.memory_space<hbm>>
      %dma_start3A_954 = arith.constant 0 : i32
      %dma_start3A_955 = arith.constant 0 : i32
      %dma_start3A_956 = tpu.memref_slice %arg6[%dma_start3A_942, %dma_start3A_954, %dma_start3A_955] : memref<5x128x128xf32, #tpu.memory_space<vmem>> -> memref<1x128x128xf32, #tpu.memory_space<vmem>>
      %dma_start3A_957 = tpu.memref_squeeze %dma_start3A_956 : memref<1x128x128xf32, #tpu.memory_space<vmem>> -> memref<128x128xf32, #tpu.memory_space<vmem>>
      tpu.enqueue_dma source(%dma_start3A_957 : memref<128x128xf32, #tpu.memory_space<vmem>>) target(%dma_start3A_953 : memref<128x128xf32, #tpu.memory_space<hbm>>) target_semaphore(%dma_start3A_951 : memref<!tpu.dma_semaphore, #tpu.memory_space<semaphore_mem>>)
      %sub3A_958 = arith.constant 1 : i32
      %sub3A_959 = arith.subi %add3A_923, %sub3A_958 : i32
      %mul3A_960 = arith.constant 128 : i32
      %mul3A_961 = arith.muli %sub3A_959, %mul3A_960 : i32
      %add3A_962 = arith.addi %multiple_of3A, %mul3A_961 : i32
      %multiple_of3A_963 = tpu.assume_multiple %add3A_962, 128 : i32
      %dma_wait3A_964 = arith.constant 2 : i32
      %dma_wait3A_965 = arith.constant 2 : i32
      %dma_wait3A_966 = arith.constant 0 : i32
      %dma_wait3A_967 = arith.constant 0 : i32
      %dma_wait3A_968 = tpu.memref_slice %arg6[%dma_wait3A_964, %dma_wait3A_966, %dma_wait3A_967] : memref<5x128x128xf32, #tpu.memory_space<vmem>> -> memref<1x128x128xf32, #tpu.memory_space<vmem>>
      %dma_wait3A_969 = tpu.memref_squeeze %dma_wait3A_968 : memref<1x128x128xf32, #tpu.memory_space<vmem>> -> memref<128x128xf32, #tpu.memory_space<vmem>>
      %dma_wait3A_970 = arith.constant 0 : i32
      %dma_wait3A_971 = tpu.memref_slice %arg4[%multiple_of3A_963, %dma_wait3A_970] : memref<819200x128xf32, #tpu.memory_space<hbm>> -> memref<128x128xf32, #tpu.memory_space<hbm>>
      %dma_wait3A_972 = tpu.memref_slice %arg8[%dma_wait3A_965] : memref<5x!tpu.dma_semaphore, #tpu.memory_space<semaphore_mem>> -> memref<1x!tpu.dma_semaphore, #tpu.memory_space<semaphore_mem>>
      %dma_wait3A_973 = tpu.memref_squeeze %dma_wait3A_972 : memref<1x!tpu.dma_semaphore, #tpu.memory_space<semaphore_mem>> -> memref<!tpu.dma_semaphore, #tpu.memory_space<semaphore_mem>>
      %dma_wait3A_974 = arith.constant 0 : i32
      %dma_wait3A_975 = tpu.memref_slice %arg4[%multiple_of3A_963, %dma_wait3A_974] : memref<819200x128xf32, #tpu.memory_space<hbm>> -> memref<128x128xf32, #tpu.memory_space<hbm>>
      %dma_wait3A_976 = arith.constant 0 : i32
      %dma_wait3A_977 = arith.constant 0 : i32
      %dma_wait3A_978 = tpu.memref_slice %arg6[%dma_wait3A_964, %dma_wait3A_976, %dma_wait3A_977] : memref<5x128x128xf32, #tpu.memory_space<vmem>> -> memref<1x128x128xf32, #tpu.memory_space<vmem>>
      %dma_wait3A_979 = tpu.memref_squeeze %dma_wait3A_978 : memref<1x128x128xf32, #tpu.memory_space<vmem>> -> memref<128x128xf32, #tpu.memory_space<vmem>>
      tpu.wait_dma2 semaphore(%dma_wait3A_973 : memref<!tpu.dma_semaphore, #tpu.memory_space<semaphore_mem>>) src(%dma_wait3A_979 : memref<128x128xf32, #tpu.memory_space<vmem>>) dst(%dma_wait3A_975 : memref<128x128xf32, #tpu.memory_space<hbm>>)
      %add3A_980 = arith.constant 5 : i32
      %add3A_981 = arith.addi %add3A_923, %add3A_980 : i32
      %sub3A_982 = arith.constant 1 : i32
      %sub3A_983 = arith.subi %add3A_981, %sub3A_982 : i32
      %dma_start3A_984 = arith.constant 2 : i32
      %dma_start3A_985 = arith.constant 2 : i32
      %dma_start3A_986 = arith.constant 0 : i32
      %dma_start3A_987 = arith.constant 0 : i32
      %dma_start3A_988 = tpu.memref_slice %arg6[%dma_start3A_984, %dma_start3A_986, %dma_start3A_987] : memref<5x128x128xf32, #tpu.memory_space<vmem>> -> memref<1x128x128xf32, #tpu.memory_space<vmem>>
      %dma_start3A_989 = tpu.memref_squeeze %dma_start3A_988 : memref<1x128x128xf32, #tpu.memory_space<vmem>> -> memref<128x128xf32, #tpu.memory_space<vmem>>
      %dma_start3A_990 = arith.constant 0 : i32
      %dma_start3A_991 = tpu.memref_slice %arg5[%sub3A_983, %dma_start3A_990] : memref<200x128xi32, #tpu.memory_space<vmem>> -> memref<1x128xi32, #tpu.memory_space<vmem>>
      %dma_start3A_992 = tpu.memref_squeeze %dma_start3A_991 : memref<1x128xi32, #tpu.memory_space<vmem>> -> memref<128xi32, #tpu.memory_space<vmem>>
      %dma_start3A_993 = arith.constant 0 : i32
      %dma_start3A_994 = arith.constant 0 : i32
      %dma_start3A_995 = tpu.memref_slice %arg2[%dma_start3A_993, %dma_start3A_994] : memref<1000000x128xf32, #tpu.memory_space<hbm>> -> memref<1000000x128xf32, #tpu.memory_space<hbm>>
      %dma_start3A_996 = tpu.memref_slice %arg7[%dma_start3A_985] : memref<5x!tpu.dma_semaphore, #tpu.memory_space<semaphore_mem>> -> memref<1x!tpu.dma_semaphore, #tpu.memory_space<semaphore_mem>>
      %dma_start3A_997 = tpu.memref_squeeze %dma_start3A_996 : memref<1x!tpu.dma_semaphore, #tpu.memory_space<semaphore_mem>> -> memref<!tpu.dma_semaphore, #tpu.memory_space<semaphore_mem>>
      tpu.enqueue_indirect_dma source(%dma_start3A_995 : memref<1000000x128xf32, #tpu.memory_space<hbm>>) target(%dma_start3A_989 : memref<128x128xf32, #tpu.memory_space<vmem>>) offsets(%dma_start3A_992 : memref<128xi32, #tpu.memory_space<vmem>>) semaphore(%dma_start3A_997 : memref<!tpu.dma_semaphore, #tpu.memory_space<semaphore_mem>>)
      %mul3A_998 = arith.constant 5 : i32
      %mul3A_999 = arith.muli %scan3A_686, %mul3A_998 : i32
      %add3A_1000 = arith.constant 4 : i32
      %add3A_1001 = arith.addi %mul3A_999, %add3A_1000 : i32
      %dma_wait3A_1002 = arith.constant 4 : i32
      %dma_wait3A_1003 = arith.constant 4 : i32
      %dma_wait3A_1004 = arith.constant 0 : i32
      %dma_wait3A_1005 = arith.constant 0 : i32
      %dma_wait3A_1006 = tpu.memref_slice %arg6[%dma_wait3A_1002, %dma_wait3A_1004, %dma_wait3A_1005] : memref<5x128x128xf32, #tpu.memory_space<vmem>> -> memref<1x128x128xf32, #tpu.memory_space<vmem>>
      %dma_wait3A_1007 = tpu.memref_squeeze %dma_wait3A_1006 : memref<1x128x128xf32, #tpu.memory_space<vmem>> -> memref<128x128xf32, #tpu.memory_space<vmem>>
      %dma_wait3A_1008 = arith.constant 0 : i32
      %dma_wait3A_1009 = tpu.memref_slice %arg5[%add3A_1001, %dma_wait3A_1008] : memref<200x128xi32, #tpu.memory_space<vmem>> -> memref<1x128xi32, #tpu.memory_space<vmem>>
      %dma_wait3A_1010 = tpu.memref_squeeze %dma_wait3A_1009 : memref<1x128xi32, #tpu.memory_space<vmem>> -> memref<128xi32, #tpu.memory_space<vmem>>
      %dma_wait3A_1011 = arith.constant 0 : i32
      %dma_wait3A_1012 = arith.constant 0 : i32
      %dma_wait3A_1013 = tpu.memref_slice %arg2[%dma_wait3A_1011, %dma_wait3A_1012] : memref<1000000x128xf32, #tpu.memory_space<hbm>> -> memref<1000000x128xf32, #tpu.memory_space<hbm>>
      %dma_wait3A_1014 = tpu.memref_slice %arg7[%dma_wait3A_1003] : memref<5x!tpu.dma_semaphore, #tpu.memory_space<semaphore_mem>> -> memref<1x!tpu.dma_semaphore, #tpu.memory_space<semaphore_mem>>
      %dma_wait3A_1015 = tpu.memref_squeeze %dma_wait3A_1014 : memref<1x!tpu.dma_semaphore, #tpu.memory_space<semaphore_mem>> -> memref<!tpu.dma_semaphore, #tpu.memory_space<semaphore_mem>>
      tpu.wait_indirect_dma semaphore(%dma_wait3A_1015 : memref<!tpu.dma_semaphore, #tpu.memory_space<semaphore_mem>>) src(%dma_wait3A_1013 : memref<1000000x128xf32, #tpu.memory_space<hbm>>) dst(%dma_wait3A_1007 : memref<128x128xf32, #tpu.memory_space<vmem>>)
      %mul3A_1016 = arith.constant 128 : i32
      %mul3A_1017 = arith.muli %add3A_1001, %mul3A_1016 : i32
      %add3A_1018 = arith.addi %multiple_of3A, %mul3A_1017 : i32
      %multiple_of3A_1019 = tpu.assume_multiple %add3A_1018, 128 : i32
      %dma_start3A_1020 = arith.constant 4 : i32
      %dma_start3A_1021 = arith.constant 4 : i32
      %dma_start3A_1022 = arith.constant 0 : i32
      %dma_start3A_1023 = arith.constant 0 : i32
      %dma_start3A_1024 = tpu.memref_slice %arg6[%dma_start3A_1020, %dma_start3A_1022, %dma_start3A_1023] : memref<5x128x128xf32, #tpu.memory_space<vmem>> -> memref<1x128x128xf32, #tpu.memory_space<vmem>>
      %dma_start3A_1025 = tpu.memref_squeeze %dma_start3A_1024 : memref<1x128x128xf32, #tpu.memory_space<vmem>> -> memref<128x128xf32, #tpu.memory_space<vmem>>
      %dma_start3A_1026 = arith.constant 0 : i32
      %dma_start3A_1027 = tpu.memref_slice %arg4[%multiple_of3A_1019, %dma_start3A_1026] : memref<819200x128xf32, #tpu.memory_space<hbm>> -> memref<128x128xf32, #tpu.memory_space<hbm>>
      %dma_start3A_1028 = tpu.memref_slice %arg8[%dma_start3A_1021] : memref<5x!tpu.dma_semaphore, #tpu.memory_space<semaphore_mem>> -> memref<1x!tpu.dma_semaphore, #tpu.memory_space<semaphore_mem>>
      %dma_start3A_1029 = tpu.memref_squeeze %dma_start3A_1028 : memref<1x!tpu.dma_semaphore, #tpu.memory_space<semaphore_mem>> -> memref<!tpu.dma_semaphore, #tpu.memory_space<semaphore_mem>>
      %dma_start3A_1030 = arith.constant 0 : i32
      %dma_start3A_1031 = tpu.memref_slice %arg4[%multiple_of3A_1019, %dma_start3A_1030] : memref<819200x128xf32, #tpu.memory_space<hbm>> -> memref<128x128xf32, #tpu.memory_space<hbm>>
      %dma_start3A_1032 = arith.constant 0 : i32
      %dma_start3A_1033 = arith.constant 0 : i32
      %dma_start3A_1034 = tpu.memref_slice %arg6[%dma_start3A_1020, %dma_start3A_1032, %dma_start3A_1033] : memref<5x128x128xf32, #tpu.memory_space<vmem>> -> memref<1x128x128xf32, #tpu.memory_space<vmem>>
      %dma_start3A_1035 = tpu.memref_squeeze %dma_start3A_1034 : memref<1x128x128xf32, #tpu.memory_space<vmem>> -> memref<128x128xf32, #tpu.memory_space<vmem>>
      tpu.enqueue_dma source(%dma_start3A_1035 : memref<128x128xf32, #tpu.memory_space<vmem>>) target(%dma_start3A_1031 : memref<128x128xf32, #tpu.memory_space<hbm>>) target_semaphore(%dma_start3A_1029 : memref<!tpu.dma_semaphore, #tpu.memory_space<semaphore_mem>>)
      %sub3A_1036 = arith.constant 1 : i32
      %sub3A_1037 = arith.subi %add3A_1001, %sub3A_1036 : i32
      %mul3A_1038 = arith.constant 128 : i32
      %mul3A_1039 = arith.muli %sub3A_1037, %mul3A_1038 : i32
      %add3A_1040 = arith.addi %multiple_of3A, %mul3A_1039 : i32
      %multiple_of3A_1041 = tpu.assume_multiple %add3A_1040, 128 : i32
      %dma_wait3A_1042 = arith.constant 3 : i32
      %dma_wait3A_1043 = arith.constant 3 : i32
      %dma_wait3A_1044 = arith.constant 0 : i32
      %dma_wait3A_1045 = arith.constant 0 : i32
      %dma_wait3A_1046 = tpu.memref_slice %arg6[%dma_wait3A_1042, %dma_wait3A_1044, %dma_wait3A_1045] : memref<5x128x128xf32, #tpu.memory_space<vmem>> -> memref<1x128x128xf32, #tpu.memory_space<vmem>>
      %dma_wait3A_1047 = tpu.memref_squeeze %dma_wait3A_1046 : memref<1x128x128xf32, #tpu.memory_space<vmem>> -> memref<128x128xf32, #tpu.memory_space<vmem>>
      %dma_wait3A_1048 = arith.constant 0 : i32
      %dma_wait3A_1049 = tpu.memref_slice %arg4[%multiple_of3A_1041, %dma_wait3A_1048] : memref<819200x128xf32, #tpu.memory_space<hbm>> -> memref<128x128xf32, #tpu.memory_space<hbm>>
      %dma_wait3A_1050 = tpu.memref_slice %arg8[%dma_wait3A_1043] : memref<5x!tpu.dma_semaphore, #tpu.memory_space<semaphore_mem>> -> memref<1x!tpu.dma_semaphore, #tpu.memory_space<semaphore_mem>>
      %dma_wait3A_1051 = tpu.memref_squeeze %dma_wait3A_1050 : memref<1x!tpu.dma_semaphore, #tpu.memory_space<semaphore_mem>> -> memref<!tpu.dma_semaphore, #tpu.memory_space<semaphore_mem>>
      %dma_wait3A_1052 = arith.constant 0 : i32
      %dma_wait3A_1053 = tpu.memref_slice %arg4[%multiple_of3A_1041, %dma_wait3A_1052] : memref<819200x128xf32, #tpu.memory_space<hbm>> -> memref<128x128xf32, #tpu.memory_space<hbm>>
      %dma_wait3A_1054 = arith.constant 0 : i32
      %dma_wait3A_1055 = arith.constant 0 : i32
      %dma_wait3A_1056 = tpu.memref_slice %arg6[%dma_wait3A_1042, %dma_wait3A_1054, %dma_wait3A_1055] : memref<5x128x128xf32, #tpu.memory_space<vmem>> -> memref<1x128x128xf32, #tpu.memory_space<vmem>>
      %dma_wait3A_1057 = tpu.memref_squeeze %dma_wait3A_1056 : memref<1x128x128xf32, #tpu.memory_space<vmem>> -> memref<128x128xf32, #tpu.memory_space<vmem>>
      tpu.wait_dma2 semaphore(%dma_wait3A_1051 : memref<!tpu.dma_semaphore, #tpu.memory_space<semaphore_mem>>) src(%dma_wait3A_1057 : memref<128x128xf32, #tpu.memory_space<vmem>>) dst(%dma_wait3A_1053 : memref<128x128xf32, #tpu.memory_space<hbm>>)
      %add3A_1058 = arith.constant 5 : i32
      %add3A_1059 = arith.addi %add3A_1001, %add3A_1058 : i32
      %sub3A_1060 = arith.constant 1 : i32
      %sub3A_1061 = arith.subi %add3A_1059, %sub3A_1060 : i32
      %dma_start3A_1062 = arith.constant 3 : i32
      %dma_start3A_1063 = arith.constant 3 : i32
      %dma_start3A_1064 = arith.constant 0 : i32
      %dma_start3A_1065 = arith.constant 0 : i32
      %dma_start3A_1066 = tpu.memref_slice %arg6[%dma_start3A_1062, %dma_start3A_1064, %dma_start3A_1065] : memref<5x128x128xf32, #tpu.memory_space<vmem>> -> memref<1x128x128xf32, #tpu.memory_space<vmem>>
      %dma_start3A_1067 = tpu.memref_squeeze %dma_start3A_1066 : memref<1x128x128xf32, #tpu.memory_space<vmem>> -> memref<128x128xf32, #tpu.memory_space<vmem>>
      %dma_start3A_1068 = arith.constant 0 : i32
      %dma_start3A_1069 = tpu.memref_slice %arg5[%sub3A_1061, %dma_start3A_1068] : memref<200x128xi32, #tpu.memory_space<vmem>> -> memref<1x128xi32, #tpu.memory_space<vmem>>
      %dma_start3A_1070 = tpu.memref_squeeze %dma_start3A_1069 : memref<1x128xi32, #tpu.memory_space<vmem>> -> memref<128xi32, #tpu.memory_space<vmem>>
      %dma_start3A_1071 = arith.constant 0 : i32
      %dma_start3A_1072 = arith.constant 0 : i32
      %dma_start3A_1073 = tpu.memref_slice %arg2[%dma_start3A_1071, %dma_start3A_1072] : memref<1000000x128xf32, #tpu.memory_space<hbm>> -> memref<1000000x128xf32, #tpu.memory_space<hbm>>
      %dma_start3A_1074 = tpu.memref_slice %arg7[%dma_start3A_1063] : memref<5x!tpu.dma_semaphore, #tpu.memory_space<semaphore_mem>> -> memref<1x!tpu.dma_semaphore, #tpu.memory_space<semaphore_mem>>
      %dma_start3A_1075 = tpu.memref_squeeze %dma_start3A_1074 : memref<1x!tpu.dma_semaphore, #tpu.memory_space<semaphore_mem>> -> memref<!tpu.dma_semaphore, #tpu.memory_space<semaphore_mem>>
      tpu.enqueue_indirect_dma source(%dma_start3A_1073 : memref<1000000x128xf32, #tpu.memory_space<hbm>>) target(%dma_start3A_1067 : memref<128x128xf32, #tpu.memory_space<vmem>>) offsets(%dma_start3A_1070 : memref<128xi32, #tpu.memory_space<vmem>>) semaphore(%dma_start3A_1075 : memref<!tpu.dma_semaphore, #tpu.memory_space<semaphore_mem>>)
    }
    %scan3A_386 = arith.constant 38 : i32
    %dma_wait3A_387 = arith.constant 195 : i32
    %dma_wait3A_388 = arith.constant 0 : i32
    %dma_wait3A_389 = arith.constant 0 : i32
    %dma_wait3A_390 = arith.constant 0 : i32
    %dma_wait3A_391 = arith.constant 0 : i32
    %dma_wait3A_392 = tpu.memref_slice %arg6[%dma_wait3A_388, %dma_wait3A_390, %dma_wait3A_391] : memref<5x128x128xf32, #tpu.memory_space<vmem>> -> memref<1x128x128xf32, #tpu.memory_space<vmem>>
    %dma_wait3A_393 = tpu.memref_squeeze %dma_wait3A_392 : memref<1x128x128xf32, #tpu.memory_space<vmem>> -> memref<128x128xf32, #tpu.memory_space<vmem>>
    %dma_wait3A_394 = arith.constant 0 : i32
    %dma_wait3A_395 = tpu.memref_slice %arg5[%dma_wait3A_387, %dma_wait3A_394] : memref<200x128xi32, #tpu.memory_space<vmem>> -> memref<1x128xi32, #tpu.memory_space<vmem>>
    %dma_wait3A_396 = tpu.memref_squeeze %dma_wait3A_395 : memref<1x128xi32, #tpu.memory_space<vmem>> -> memref<128xi32, #tpu.memory_space<vmem>>
    %dma_wait3A_397 = arith.constant 0 : i32
    %dma_wait3A_398 = arith.constant 0 : i32
    %dma_wait3A_399 = tpu.memref_slice %arg2[%dma_wait3A_397, %dma_wait3A_398] : memref<1000000x128xf32, #tpu.memory_space<hbm>> -> memref<1000000x128xf32, #tpu.memory_space<hbm>>
    %dma_wait3A_400 = tpu.memref_slice %arg7[%dma_wait3A_389] : memref<5x!tpu.dma_semaphore, #tpu.memory_space<semaphore_mem>> -> memref<1x!tpu.dma_semaphore, #tpu.memory_space<semaphore_mem>>
    %dma_wait3A_401 = tpu.memref_squeeze %dma_wait3A_400 : memref<1x!tpu.dma_semaphore, #tpu.memory_space<semaphore_mem>> -> memref<!tpu.dma_semaphore, #tpu.memory_space<semaphore_mem>>
    tpu.wait_indirect_dma semaphore(%dma_wait3A_401 : memref<!tpu.dma_semaphore, #tpu.memory_space<semaphore_mem>>) src(%dma_wait3A_399 : memref<1000000x128xf32, #tpu.memory_space<hbm>>) dst(%dma_wait3A_393 : memref<128x128xf32, #tpu.memory_space<vmem>>)
    %add3A_402 = arith.constant 24960 : i32
    %add3A_403 = arith.addi %multiple_of3A, %add3A_402 : i32
    %multiple_of3A_404 = tpu.assume_multiple %add3A_403, 128 : i32
    %dma_start3A_405 = arith.constant 0 : i32
    %dma_start3A_406 = arith.constant 0 : i32
    %dma_start3A_407 = arith.constant 0 : i32
    %dma_start3A_408 = arith.constant 0 : i32
    %dma_start3A_409 = tpu.memref_slice %arg6[%dma_start3A_405, %dma_start3A_407, %dma_start3A_408] : memref<5x128x128xf32, #tpu.memory_space<vmem>> -> memref<1x128x128xf32, #tpu.memory_space<vmem>>
    %dma_start3A_410 = tpu.memref_squeeze %dma_start3A_409 : memref<1x128x128xf32, #tpu.memory_space<vmem>> -> memref<128x128xf32, #tpu.memory_space<vmem>>
    %dma_start3A_411 = arith.constant 0 : i32
    %dma_start3A_412 = tpu.memref_slice %arg4[%multiple_of3A_404, %dma_start3A_411] : memref<819200x128xf32, #tpu.memory_space<hbm>> -> memref<128x128xf32, #tpu.memory_space<hbm>>
    %dma_start3A_413 = tpu.memref_slice %arg8[%dma_start3A_406] : memref<5x!tpu.dma_semaphore, #tpu.memory_space<semaphore_mem>> -> memref<1x!tpu.dma_semaphore, #tpu.memory_space<semaphore_mem>>
    %dma_start3A_414 = tpu.memref_squeeze %dma_start3A_413 : memref<1x!tpu.dma_semaphore, #tpu.memory_space<semaphore_mem>> -> memref<!tpu.dma_semaphore, #tpu.memory_space<semaphore_mem>>
    %dma_start3A_415 = arith.constant 0 : i32
    %dma_start3A_416 = tpu.memref_slice %arg4[%multiple_of3A_404, %dma_start3A_415] : memref<819200x128xf32, #tpu.memory_space<hbm>> -> memref<128x128xf32, #tpu.memory_space<hbm>>
    %dma_start3A_417 = arith.constant 0 : i32
    %dma_start3A_418 = arith.constant 0 : i32
    %dma_start3A_419 = tpu.memref_slice %arg6[%dma_start3A_405, %dma_start3A_417, %dma_start3A_418] : memref<5x128x128xf32, #tpu.memory_space<vmem>> -> memref<1x128x128xf32, #tpu.memory_space<vmem>>
    %dma_start3A_420 = tpu.memref_squeeze %dma_start3A_419 : memref<1x128x128xf32, #tpu.memory_space<vmem>> -> memref<128x128xf32, #tpu.memory_space<vmem>>
    tpu.enqueue_dma source(%dma_start3A_420 : memref<128x128xf32, #tpu.memory_space<vmem>>) target(%dma_start3A_416 : memref<128x128xf32, #tpu.memory_space<hbm>>) target_semaphore(%dma_start3A_414 : memref<!tpu.dma_semaphore, #tpu.memory_space<semaphore_mem>>)
    %add3A_421 = arith.constant 24832 : i32
    %add3A_422 = arith.addi %multiple_of3A, %add3A_421 : i32
    %multiple_of3A_423 = tpu.assume_multiple %add3A_422, 128 : i32
    %dma_wait3A_424 = arith.constant 4 : i32
    %dma_wait3A_425 = arith.constant 4 : i32
    %dma_wait3A_426 = arith.constant 0 : i32
    %dma_wait3A_427 = arith.constant 0 : i32
    %dma_wait3A_428 = tpu.memref_slice %arg6[%dma_wait3A_424, %dma_wait3A_426, %dma_wait3A_427] : memref<5x128x128xf32, #tpu.memory_space<vmem>> -> memref<1x128x128xf32, #tpu.memory_space<vmem>>
    %dma_wait3A_429 = tpu.memref_squeeze %dma_wait3A_428 : memref<1x128x128xf32, #tpu.memory_space<vmem>> -> memref<128x128xf32, #tpu.memory_space<vmem>>
    %dma_wait3A_430 = arith.constant 0 : i32
    %dma_wait3A_431 = tpu.memref_slice %arg4[%multiple_of3A_423, %dma_wait3A_430] : memref<819200x128xf32, #tpu.memory_space<hbm>> -> memref<128x128xf32, #tpu.memory_space<hbm>>
    %dma_wait3A_432 = tpu.memref_slice %arg8[%dma_wait3A_425] : memref<5x!tpu.dma_semaphore, #tpu.memory_space<semaphore_mem>> -> memref<1x!tpu.dma_semaphore, #tpu.memory_space<semaphore_mem>>
    %dma_wait3A_433 = tpu.memref_squeeze %dma_wait3A_432 : memref<1x!tpu.dma_semaphore, #tpu.memory_space<semaphore_mem>> -> memref<!tpu.dma_semaphore, #tpu.memory_space<semaphore_mem>>
    %dma_wait3A_434 = arith.constant 0 : i32
    %dma_wait3A_435 = tpu.memref_slice %arg4[%multiple_of3A_423, %dma_wait3A_434] : memref<819200x128xf32, #tpu.memory_space<hbm>> -> memref<128x128xf32, #tpu.memory_space<hbm>>
    %dma_wait3A_436 = arith.constant 0 : i32
    %dma_wait3A_437 = arith.constant 0 : i32
    %dma_wait3A_438 = tpu.memref_slice %arg6[%dma_wait3A_424, %dma_wait3A_436, %dma_wait3A_437] : memref<5x128x128xf32, #tpu.memory_space<vmem>> -> memref<1x128x128xf32, #tpu.memory_space<vmem>>
    %dma_wait3A_439 = tpu.memref_squeeze %dma_wait3A_438 : memref<1x128x128xf32, #tpu.memory_space<vmem>> -> memref<128x128xf32, #tpu.memory_space<vmem>>
    tpu.wait_dma2 semaphore(%dma_wait3A_433 : memref<!tpu.dma_semaphore, #tpu.memory_space<semaphore_mem>>) src(%dma_wait3A_439 : memref<128x128xf32, #tpu.memory_space<vmem>>) dst(%dma_wait3A_435 : memref<128x128xf32, #tpu.memory_space<hbm>>)
    %dma_start3A_440 = arith.constant 199 : i32
    %dma_start3A_441 = arith.constant 4 : i32
    %dma_start3A_442 = arith.constant 4 : i32
    %dma_start3A_443 = arith.constant 0 : i32
    %dma_start3A_444 = arith.constant 0 : i32
    %dma_start3A_445 = tpu.memref_slice %arg6[%dma_start3A_441, %dma_start3A_443, %dma_start3A_444] : memref<5x128x128xf32, #tpu.memory_space<vmem>> -> memref<1x128x128xf32, #tpu.memory_space<vmem>>
    %dma_start3A_446 = tpu.memref_squeeze %dma_start3A_445 : memref<1x128x128xf32, #tpu.memory_space<vmem>> -> memref<128x128xf32, #tpu.memory_space<vmem>>
    %dma_start3A_447 = arith.constant 0 : i32
    %dma_start3A_448 = tpu.memref_slice %arg5[%dma_start3A_440, %dma_start3A_447] : memref<200x128xi32, #tpu.memory_space<vmem>> -> memref<1x128xi32, #tpu.memory_space<vmem>>
    %dma_start3A_449 = tpu.memref_squeeze %dma_start3A_448 : memref<1x128xi32, #tpu.memory_space<vmem>> -> memref<128xi32, #tpu.memory_space<vmem>>
    %dma_start3A_450 = arith.constant 0 : i32
    %dma_start3A_451 = arith.constant 0 : i32
    %dma_start3A_452 = tpu.memref_slice %arg2[%dma_start3A_450, %dma_start3A_451] : memref<1000000x128xf32, #tpu.memory_space<hbm>> -> memref<1000000x128xf32, #tpu.memory_space<hbm>>
    %dma_start3A_453 = tpu.memref_slice %arg7[%dma_start3A_442] : memref<5x!tpu.dma_semaphore, #tpu.memory_space<semaphore_mem>> -> memref<1x!tpu.dma_semaphore, #tpu.memory_space<semaphore_mem>>
    %dma_start3A_454 = tpu.memref_squeeze %dma_start3A_453 : memref<1x!tpu.dma_semaphore, #tpu.memory_space<semaphore_mem>> -> memref<!tpu.dma_semaphore, #tpu.memory_space<semaphore_mem>>
    tpu.enqueue_indirect_dma source(%dma_start3A_452 : memref<1000000x128xf32, #tpu.memory_space<hbm>>) target(%dma_start3A_446 : memref<128x128xf32, #tpu.memory_space<vmem>>) offsets(%dma_start3A_449 : memref<128xi32, #tpu.memory_space<vmem>>) semaphore(%dma_start3A_454 : memref<!tpu.dma_semaphore, #tpu.memory_space<semaphore_mem>>)
    %dma_wait3A_455 = arith.constant 196 : i32
    %dma_wait3A_456 = arith.constant 1 : i32
    %dma_wait3A_457 = arith.constant 1 : i32
    %dma_wait3A_458 = arith.constant 0 : i32
    %dma_wait3A_459 = arith.constant 0 : i32
    %dma_wait3A_460 = tpu.memref_slice %arg6[%dma_wait3A_456, %dma_wait3A_458, %dma_wait3A_459] : memref<5x128x128xf32, #tpu.memory_space<vmem>> -> memref<1x128x128xf32, #tpu.memory_space<vmem>>
    %dma_wait3A_461 = tpu.memref_squeeze %dma_wait3A_460 : memref<1x128x128xf32, #tpu.memory_space<vmem>> -> memref<128x128xf32, #tpu.memory_space<vmem>>
    %dma_wait3A_462 = arith.constant 0 : i32
    %dma_wait3A_463 = tpu.memref_slice %arg5[%dma_wait3A_455, %dma_wait3A_462] : memref<200x128xi32, #tpu.memory_space<vmem>> -> memref<1x128xi32, #tpu.memory_space<vmem>>
    %dma_wait3A_464 = tpu.memref_squeeze %dma_wait3A_463 : memref<1x128xi32, #tpu.memory_space<vmem>> -> memref<128xi32, #tpu.memory_space<vmem>>
    %dma_wait3A_465 = arith.constant 0 : i32
    %dma_wait3A_466 = arith.constant 0 : i32
    %dma_wait3A_467 = tpu.memref_slice %arg2[%dma_wait3A_465, %dma_wait3A_466] : memref<1000000x128xf32, #tpu.memory_space<hbm>> -> memref<1000000x128xf32, #tpu.memory_space<hbm>>
    %dma_wait3A_468 = tpu.memref_slice %arg7[%dma_wait3A_457] : memref<5x!tpu.dma_semaphore, #tpu.memory_space<semaphore_mem>> -> memref<1x!tpu.dma_semaphore, #tpu.memory_space<semaphore_mem>>
    %dma_wait3A_469 = tpu.memref_squeeze %dma_wait3A_468 : memref<1x!tpu.dma_semaphore, #tpu.memory_space<semaphore_mem>> -> memref<!tpu.dma_semaphore, #tpu.memory_space<semaphore_mem>>
    tpu.wait_indirect_dma semaphore(%dma_wait3A_469 : memref<!tpu.dma_semaphore, #tpu.memory_space<semaphore_mem>>) src(%dma_wait3A_467 : memref<1000000x128xf32, #tpu.memory_space<hbm>>) dst(%dma_wait3A_461 : memref<128x128xf32, #tpu.memory_space<vmem>>)
    %add3A_470 = arith.constant 25088 : i32
    %add3A_471 = arith.addi %multiple_of3A, %add3A_470 : i32
    %multiple_of3A_472 = tpu.assume_multiple %add3A_471, 128 : i32
    %dma_start3A_473 = arith.constant 1 : i32
    %dma_start3A_474 = arith.constant 1 : i32
    %dma_start3A_475 = arith.constant 0 : i32
    %dma_start3A_476 = arith.constant 0 : i32
    %dma_start3A_477 = tpu.memref_slice %arg6[%dma_start3A_473, %dma_start3A_475, %dma_start3A_476] : memref<5x128x128xf32, #tpu.memory_space<vmem>> -> memref<1x128x128xf32, #tpu.memory_space<vmem>>
    %dma_start3A_478 = tpu.memref_squeeze %dma_start3A_477 : memref<1x128x128xf32, #tpu.memory_space<vmem>> -> memref<128x128xf32, #tpu.memory_space<vmem>>
    %dma_start3A_479 = arith.constant 0 : i32
    %dma_start3A_480 = tpu.memref_slice %arg4[%multiple_of3A_472, %dma_start3A_479] : memref<819200x128xf32, #tpu.memory_space<hbm>> -> memref<128x128xf32, #tpu.memory_space<hbm>>
    %dma_start3A_481 = tpu.memref_slice %arg8[%dma_start3A_474] : memref<5x!tpu.dma_semaphore, #tpu.memory_space<semaphore_mem>> -> memref<1x!tpu.dma_semaphore, #tpu.memory_space<semaphore_mem>>
    %dma_start3A_482 = tpu.memref_squeeze %dma_start3A_481 : memref<1x!tpu.dma_semaphore, #tpu.memory_space<semaphore_mem>> -> memref<!tpu.dma_semaphore, #tpu.memory_space<semaphore_mem>>
    %dma_start3A_483 = arith.constant 0 : i32
    %dma_start3A_484 = tpu.memref_slice %arg4[%multiple_of3A_472, %dma_start3A_483] : memref<819200x128xf32, #tpu.memory_space<hbm>> -> memref<128x128xf32, #tpu.memory_space<hbm>>
    %dma_start3A_485 = arith.constant 0 : i32
    %dma_start3A_486 = arith.constant 0 : i32
    %dma_start3A_487 = tpu.memref_slice %arg6[%dma_start3A_473, %dma_start3A_485, %dma_start3A_486] : memref<5x128x128xf32, #tpu.memory_space<vmem>> -> memref<1x128x128xf32, #tpu.memory_space<vmem>>
    %dma_start3A_488 = tpu.memref_squeeze %dma_start3A_487 : memref<1x128x128xf32, #tpu.memory_space<vmem>> -> memref<128x128xf32, #tpu.memory_space<vmem>>
    tpu.enqueue_dma source(%dma_start3A_488 : memref<128x128xf32, #tpu.memory_space<vmem>>) target(%dma_start3A_484 : memref<128x128xf32, #tpu.memory_space<hbm>>) target_semaphore(%dma_start3A_482 : memref<!tpu.dma_semaphore, #tpu.memory_space<semaphore_mem>>)
    %dma_wait3A_489 = arith.constant 197 : i32
    %dma_wait3A_490 = arith.constant 2 : i32
    %dma_wait3A_491 = arith.constant 2 : i32
    %dma_wait3A_492 = arith.constant 0 : i32
    %dma_wait3A_493 = arith.constant 0 : i32
    %dma_wait3A_494 = tpu.memref_slice %arg6[%dma_wait3A_490, %dma_wait3A_492, %dma_wait3A_493] : memref<5x128x128xf32, #tpu.memory_space<vmem>> -> memref<1x128x128xf32, #tpu.memory_space<vmem>>
    %dma_wait3A_495 = tpu.memref_squeeze %dma_wait3A_494 : memref<1x128x128xf32, #tpu.memory_space<vmem>> -> memref<128x128xf32, #tpu.memory_space<vmem>>
    %dma_wait3A_496 = arith.constant 0 : i32
    %dma_wait3A_497 = tpu.memref_slice %arg5[%dma_wait3A_489, %dma_wait3A_496] : memref<200x128xi32, #tpu.memory_space<vmem>> -> memref<1x128xi32, #tpu.memory_space<vmem>>
    %dma_wait3A_498 = tpu.memref_squeeze %dma_wait3A_497 : memref<1x128xi32, #tpu.memory_space<vmem>> -> memref<128xi32, #tpu.memory_space<vmem>>
    %dma_wait3A_499 = arith.constant 0 : i32
    %dma_wait3A_500 = arith.constant 0 : i32
    %dma_wait3A_501 = tpu.memref_slice %arg2[%dma_wait3A_499, %dma_wait3A_500] : memref<1000000x128xf32, #tpu.memory_space<hbm>> -> memref<1000000x128xf32, #tpu.memory_space<hbm>>
    %dma_wait3A_502 = tpu.memref_slice %arg7[%dma_wait3A_491] : memref<5x!tpu.dma_semaphore, #tpu.memory_space<semaphore_mem>> -> memref<1x!tpu.dma_semaphore, #tpu.memory_space<semaphore_mem>>
    %dma_wait3A_503 = tpu.memref_squeeze %dma_wait3A_502 : memref<1x!tpu.dma_semaphore, #tpu.memory_space<semaphore_mem>> -> memref<!tpu.dma_semaphore, #tpu.memory_space<semaphore_mem>>
    tpu.wait_indirect_dma semaphore(%dma_wait3A_503 : memref<!tpu.dma_semaphore, #tpu.memory_space<semaphore_mem>>) src(%dma_wait3A_501 : memref<1000000x128xf32, #tpu.memory_space<hbm>>) dst(%dma_wait3A_495 : memref<128x128xf32, #tpu.memory_space<vmem>>)
    %add3A_504 = arith.constant 25216 : i32
    %add3A_505 = arith.addi %multiple_of3A, %add3A_504 : i32
    %multiple_of3A_506 = tpu.assume_multiple %add3A_505, 128 : i32
    %dma_start3A_507 = arith.constant 2 : i32
    %dma_start3A_508 = arith.constant 2 : i32
    %dma_start3A_509 = arith.constant 0 : i32
    %dma_start3A_510 = arith.constant 0 : i32
    %dma_start3A_511 = tpu.memref_slice %arg6[%dma_start3A_507, %dma_start3A_509, %dma_start3A_510] : memref<5x128x128xf32, #tpu.memory_space<vmem>> -> memref<1x128x128xf32, #tpu.memory_space<vmem>>
    %dma_start3A_512 = tpu.memref_squeeze %dma_start3A_511 : memref<1x128x128xf32, #tpu.memory_space<vmem>> -> memref<128x128xf32, #tpu.memory_space<vmem>>
    %dma_start3A_513 = arith.constant 0 : i32
    %dma_start3A_514 = tpu.memref_slice %arg4[%multiple_of3A_506, %dma_start3A_513] : memref<819200x128xf32, #tpu.memory_space<hbm>> -> memref<128x128xf32, #tpu.memory_space<hbm>>
    %dma_start3A_515 = tpu.memref_slice %arg8[%dma_start3A_508] : memref<5x!tpu.dma_semaphore, #tpu.memory_space<semaphore_mem>> -> memref<1x!tpu.dma_semaphore, #tpu.memory_space<semaphore_mem>>
    %dma_start3A_516 = tpu.memref_squeeze %dma_start3A_515 : memref<1x!tpu.dma_semaphore, #tpu.memory_space<semaphore_mem>> -> memref<!tpu.dma_semaphore, #tpu.memory_space<semaphore_mem>>
    %dma_start3A_517 = arith.constant 0 : i32
    %dma_start3A_518 = tpu.memref_slice %arg4[%multiple_of3A_506, %dma_start3A_517] : memref<819200x128xf32, #tpu.memory_space<hbm>> -> memref<128x128xf32, #tpu.memory_space<hbm>>
    %dma_start3A_519 = arith.constant 0 : i32
    %dma_start3A_520 = arith.constant 0 : i32
    %dma_start3A_521 = tpu.memref_slice %arg6[%dma_start3A_507, %dma_start3A_519, %dma_start3A_520] : memref<5x128x128xf32, #tpu.memory_space<vmem>> -> memref<1x128x128xf32, #tpu.memory_space<vmem>>
    %dma_start3A_522 = tpu.memref_squeeze %dma_start3A_521 : memref<1x128x128xf32, #tpu.memory_space<vmem>> -> memref<128x128xf32, #tpu.memory_space<vmem>>
    tpu.enqueue_dma source(%dma_start3A_522 : memref<128x128xf32, #tpu.memory_space<vmem>>) target(%dma_start3A_518 : memref<128x128xf32, #tpu.memory_space<hbm>>) target_semaphore(%dma_start3A_516 : memref<!tpu.dma_semaphore, #tpu.memory_space<semaphore_mem>>)
    %dma_wait3A_523 = arith.constant 198 : i32
    %dma_wait3A_524 = arith.constant 3 : i32
    %dma_wait3A_525 = arith.constant 3 : i32
    %dma_wait3A_526 = arith.constant 0 : i32
    %dma_wait3A_527 = arith.constant 0 : i32
    %dma_wait3A_528 = tpu.memref_slice %arg6[%dma_wait3A_524, %dma_wait3A_526, %dma_wait3A_527] : memref<5x128x128xf32, #tpu.memory_space<vmem>> -> memref<1x128x128xf32, #tpu.memory_space<vmem>>
    %dma_wait3A_529 = tpu.memref_squeeze %dma_wait3A_528 : memref<1x128x128xf32, #tpu.memory_space<vmem>> -> memref<128x128xf32, #tpu.memory_space<vmem>>
    %dma_wait3A_530 = arith.constant 0 : i32
    %dma_wait3A_531 = tpu.memref_slice %arg5[%dma_wait3A_523, %dma_wait3A_530] : memref<200x128xi32, #tpu.memory_space<vmem>> -> memref<1x128xi32, #tpu.memory_space<vmem>>
    %dma_wait3A_532 = tpu.memref_squeeze %dma_wait3A_531 : memref<1x128xi32, #tpu.memory_space<vmem>> -> memref<128xi32, #tpu.memory_space<vmem>>
    %dma_wait3A_533 = arith.constant 0 : i32
    %dma_wait3A_534 = arith.constant 0 : i32
    %dma_wait3A_535 = tpu.memref_slice %arg2[%dma_wait3A_533, %dma_wait3A_534] : memref<1000000x128xf32, #tpu.memory_space<hbm>> -> memref<1000000x128xf32, #tpu.memory_space<hbm>>
    %dma_wait3A_536 = tpu.memref_slice %arg7[%dma_wait3A_525] : memref<5x!tpu.dma_semaphore, #tpu.memory_space<semaphore_mem>> -> memref<1x!tpu.dma_semaphore, #tpu.memory_space<semaphore_mem>>
    %dma_wait3A_537 = tpu.memref_squeeze %dma_wait3A_536 : memref<1x!tpu.dma_semaphore, #tpu.memory_space<semaphore_mem>> -> memref<!tpu.dma_semaphore, #tpu.memory_space<semaphore_mem>>
    tpu.wait_indirect_dma semaphore(%dma_wait3A_537 : memref<!tpu.dma_semaphore, #tpu.memory_space<semaphore_mem>>) src(%dma_wait3A_535 : memref<1000000x128xf32, #tpu.memory_space<hbm>>) dst(%dma_wait3A_529 : memref<128x128xf32, #tpu.memory_space<vmem>>)
    %add3A_538 = arith.constant 25344 : i32
    %add3A_539 = arith.addi %multiple_of3A, %add3A_538 : i32
    %multiple_of3A_540 = tpu.assume_multiple %add3A_539, 128 : i32
    %dma_start3A_541 = arith.constant 3 : i32
    %dma_start3A_542 = arith.constant 3 : i32
    %dma_start3A_543 = arith.constant 0 : i32
    %dma_start3A_544 = arith.constant 0 : i32
    %dma_start3A_545 = tpu.memref_slice %arg6[%dma_start3A_541, %dma_start3A_543, %dma_start3A_544] : memref<5x128x128xf32, #tpu.memory_space<vmem>> -> memref<1x128x128xf32, #tpu.memory_space<vmem>>
    %dma_start3A_546 = tpu.memref_squeeze %dma_start3A_545 : memref<1x128x128xf32, #tpu.memory_space<vmem>> -> memref<128x128xf32, #tpu.memory_space<vmem>>
    %dma_start3A_547 = arith.constant 0 : i32
    %dma_start3A_548 = tpu.memref_slice %arg4[%multiple_of3A_540, %dma_start3A_547] : memref<819200x128xf32, #tpu.memory_space<hbm>> -> memref<128x128xf32, #tpu.memory_space<hbm>>
    %dma_start3A_549 = tpu.memref_slice %arg8[%dma_start3A_542] : memref<5x!tpu.dma_semaphore, #tpu.memory_space<semaphore_mem>> -> memref<1x!tpu.dma_semaphore, #tpu.memory_space<semaphore_mem>>
    %dma_start3A_550 = tpu.memref_squeeze %dma_start3A_549 : memref<1x!tpu.dma_semaphore, #tpu.memory_space<semaphore_mem>> -> memref<!tpu.dma_semaphore, #tpu.memory_space<semaphore_mem>>
    %dma_start3A_551 = arith.constant 0 : i32
    %dma_start3A_552 = tpu.memref_slice %arg4[%multiple_of3A_540, %dma_start3A_551] : memref<819200x128xf32, #tpu.memory_space<hbm>> -> memref<128x128xf32, #tpu.memory_space<hbm>>
    %dma_start3A_553 = arith.constant 0 : i32
    %dma_start3A_554 = arith.constant 0 : i32
    %dma_start3A_555 = tpu.memref_slice %arg6[%dma_start3A_541, %dma_start3A_553, %dma_start3A_554] : memref<5x128x128xf32, #tpu.memory_space<vmem>> -> memref<1x128x128xf32, #tpu.memory_space<vmem>>
    %dma_start3A_556 = tpu.memref_squeeze %dma_start3A_555 : memref<1x128x128xf32, #tpu.memory_space<vmem>> -> memref<128x128xf32, #tpu.memory_space<vmem>>
    tpu.enqueue_dma source(%dma_start3A_556 : memref<128x128xf32, #tpu.memory_space<vmem>>) target(%dma_start3A_552 : memref<128x128xf32, #tpu.memory_space<hbm>>) target_semaphore(%dma_start3A_550 : memref<!tpu.dma_semaphore, #tpu.memory_space<semaphore_mem>>)
    %dma_wait3A_557 = arith.constant 199 : i32
    %dma_wait3A_558 = arith.constant 4 : i32
    %dma_wait3A_559 = arith.constant 4 : i32
    %dma_wait3A_560 = arith.constant 0 : i32
    %dma_wait3A_561 = arith.constant 0 : i32
    %dma_wait3A_562 = tpu.memref_slice %arg6[%dma_wait3A_558, %dma_wait3A_560, %dma_wait3A_561] : memref<5x128x128xf32, #tpu.memory_space<vmem>> -> memref<1x128x128xf32, #tpu.memory_space<vmem>>
    %dma_wait3A_563 = tpu.memref_squeeze %dma_wait3A_562 : memref<1x128x128xf32, #tpu.memory_space<vmem>> -> memref<128x128xf32, #tpu.memory_space<vmem>>
    %dma_wait3A_564 = arith.constant 0 : i32
    %dma_wait3A_565 = tpu.memref_slice %arg5[%dma_wait3A_557, %dma_wait3A_564] : memref<200x128xi32, #tpu.memory_space<vmem>> -> memref<1x128xi32, #tpu.memory_space<vmem>>
    %dma_wait3A_566 = tpu.memref_squeeze %dma_wait3A_565 : memref<1x128xi32, #tpu.memory_space<vmem>> -> memref<128xi32, #tpu.memory_space<vmem>>
    %dma_wait3A_567 = arith.constant 0 : i32
    %dma_wait3A_568 = arith.constant 0 : i32
    %dma_wait3A_569 = tpu.memref_slice %arg2[%dma_wait3A_567, %dma_wait3A_568] : memref<1000000x128xf32, #tpu.memory_space<hbm>> -> memref<1000000x128xf32, #tpu.memory_space<hbm>>
    %dma_wait3A_570 = tpu.memref_slice %arg7[%dma_wait3A_559] : memref<5x!tpu.dma_semaphore, #tpu.memory_space<semaphore_mem>> -> memref<1x!tpu.dma_semaphore, #tpu.memory_space<semaphore_mem>>
    %dma_wait3A_571 = tpu.memref_squeeze %dma_wait3A_570 : memref<1x!tpu.dma_semaphore, #tpu.memory_space<semaphore_mem>> -> memref<!tpu.dma_semaphore, #tpu.memory_space<semaphore_mem>>
    tpu.wait_indirect_dma semaphore(%dma_wait3A_571 : memref<!tpu.dma_semaphore, #tpu.memory_space<semaphore_mem>>) src(%dma_wait3A_569 : memref<1000000x128xf32, #tpu.memory_space<hbm>>) dst(%dma_wait3A_563 : memref<128x128xf32, #tpu.memory_space<vmem>>)
    %add3A_572 = arith.constant 25472 : i32
    %add3A_573 = arith.addi %multiple_of3A, %add3A_572 : i32
    %multiple_of3A_574 = tpu.assume_multiple %add3A_573, 128 : i32
    %dma_start3A_575 = arith.constant 4 : i32
    %dma_start3A_576 = arith.constant 4 : i32
    %dma_start3A_577 = arith.constant 0 : i32
    %dma_start3A_578 = arith.constant 0 : i32
    %dma_start3A_579 = tpu.memref_slice %arg6[%dma_start3A_575, %dma_start3A_577, %dma_start3A_578] : memref<5x128x128xf32, #tpu.memory_space<vmem>> -> memref<1x128x128xf32, #tpu.memory_space<vmem>>
    %dma_start3A_580 = tpu.memref_squeeze %dma_start3A_579 : memref<1x128x128xf32, #tpu.memory_space<vmem>> -> memref<128x128xf32, #tpu.memory_space<vmem>>
    %dma_start3A_581 = arith.constant 0 : i32
    %dma_start3A_582 = tpu.memref_slice %arg4[%multiple_of3A_574, %dma_start3A_581] : memref<819200x128xf32, #tpu.memory_space<hbm>> -> memref<128x128xf32, #tpu.memory_space<hbm>>
    %dma_start3A_583 = tpu.memref_slice %arg8[%dma_start3A_576] : memref<5x!tpu.dma_semaphore, #tpu.memory_space<semaphore_mem>> -> memref<1x!tpu.dma_semaphore, #tpu.memory_space<semaphore_mem>>
    %dma_start3A_584 = tpu.memref_squeeze %dma_start3A_583 : memref<1x!tpu.dma_semaphore, #tpu.memory_space<semaphore_mem>> -> memref<!tpu.dma_semaphore, #tpu.memory_space<semaphore_mem>>
    %dma_start3A_585 = arith.constant 0 : i32
    %dma_start3A_586 = tpu.memref_slice %arg4[%multiple_of3A_574, %dma_start3A_585] : memref<819200x128xf32, #tpu.memory_space<hbm>> -> memref<128x128xf32, #tpu.memory_space<hbm>>
    %dma_start3A_587 = arith.constant 0 : i32
    %dma_start3A_588 = arith.constant 0 : i32
    %dma_start3A_589 = tpu.memref_slice %arg6[%dma_start3A_575, %dma_start3A_587, %dma_start3A_588] : memref<5x128x128xf32, #tpu.memory_space<vmem>> -> memref<1x128x128xf32, #tpu.memory_space<vmem>>
    %dma_start3A_590 = tpu.memref_squeeze %dma_start3A_589 : memref<1x128x128xf32, #tpu.memory_space<vmem>> -> memref<128x128xf32, #tpu.memory_space<vmem>>
    tpu.enqueue_dma source(%dma_start3A_590 : memref<128x128xf32, #tpu.memory_space<vmem>>) target(%dma_start3A_586 : memref<128x128xf32, #tpu.memory_space<hbm>>) target_semaphore(%dma_start3A_584 : memref<!tpu.dma_semaphore, #tpu.memory_space<semaphore_mem>>)
    %add3A_591 = arith.constant 24960 : i32
    %add3A_592 = arith.addi %multiple_of3A, %add3A_591 : i32
    %multiple_of3A_593 = tpu.assume_multiple %add3A_592, 128 : i32
    %dma_wait3A_594 = arith.constant 0 : i32
    %dma_wait3A_595 = arith.constant 0 : i32
    %dma_wait3A_596 = arith.constant 0 : i32
    %dma_wait3A_597 = arith.constant 0 : i32
    %dma_wait3A_598 = tpu.memref_slice %arg6[%dma_wait3A_594, %dma_wait3A_596, %dma_wait3A_597] : memref<5x128x128xf32, #tpu.memory_space<vmem>> -> memref<1x128x128xf32, #tpu.memory_space<vmem>>
    %dma_wait3A_599 = tpu.memref_squeeze %dma_wait3A_598 : memref<1x128x128xf32, #tpu.memory_space<vmem>> -> memref<128x128xf32, #tpu.memory_space<vmem>>
    %dma_wait3A_600 = arith.constant 0 : i32
    %dma_wait3A_601 = tpu.memref_slice %arg4[%multiple_of3A_593, %dma_wait3A_600] : memref<819200x128xf32, #tpu.memory_space<hbm>> -> memref<128x128xf32, #tpu.memory_space<hbm>>
    %dma_wait3A_602 = tpu.memref_slice %arg8[%dma_wait3A_595] : memref<5x!tpu.dma_semaphore, #tpu.memory_space<semaphore_mem>> -> memref<1x!tpu.dma_semaphore, #tpu.memory_space<semaphore_mem>>
    %dma_wait3A_603 = tpu.memref_squeeze %dma_wait3A_602 : memref<1x!tpu.dma_semaphore, #tpu.memory_space<semaphore_mem>> -> memref<!tpu.dma_semaphore, #tpu.memory_space<semaphore_mem>>
    %dma_wait3A_604 = arith.constant 0 : i32
    %dma_wait3A_605 = tpu.memref_slice %arg4[%multiple_of3A_593, %dma_wait3A_604] : memref<819200x128xf32, #tpu.memory_space<hbm>> -> memref<128x128xf32, #tpu.memory_space<hbm>>
    %dma_wait3A_606 = arith.constant 0 : i32
    %dma_wait3A_607 = arith.constant 0 : i32
    %dma_wait3A_608 = tpu.memref_slice %arg6[%dma_wait3A_594, %dma_wait3A_606, %dma_wait3A_607] : memref<5x128x128xf32, #tpu.memory_space<vmem>> -> memref<1x128x128xf32, #tpu.memory_space<vmem>>
    %dma_wait3A_609 = tpu.memref_squeeze %dma_wait3A_608 : memref<1x128x128xf32, #tpu.memory_space<vmem>> -> memref<128x128xf32, #tpu.memory_space<vmem>>
    tpu.wait_dma2 semaphore(%dma_wait3A_603 : memref<!tpu.dma_semaphore, #tpu.memory_space<semaphore_mem>>) src(%dma_wait3A_609 : memref<128x128xf32, #tpu.memory_space<vmem>>) dst(%dma_wait3A_605 : memref<128x128xf32, #tpu.memory_space<hbm>>)
    %add3A_610 = arith.constant 25088 : i32
    %add3A_611 = arith.addi %multiple_of3A, %add3A_610 : i32
    %multiple_of3A_612 = tpu.assume_multiple %add3A_611, 128 : i32
    %dma_wait3A_613 = arith.constant 1 : i32
    %dma_wait3A_614 = arith.constant 1 : i32
    %dma_wait3A_615 = arith.constant 0 : i32
    %dma_wait3A_616 = arith.constant 0 : i32
    %dma_wait3A_617 = tpu.memref_slice %arg6[%dma_wait3A_613, %dma_wait3A_615, %dma_wait3A_616] : memref<5x128x128xf32, #tpu.memory_space<vmem>> -> memref<1x128x128xf32, #tpu.memory_space<vmem>>
    %dma_wait3A_618 = tpu.memref_squeeze %dma_wait3A_617 : memref<1x128x128xf32, #tpu.memory_space<vmem>> -> memref<128x128xf32, #tpu.memory_space<vmem>>
    %dma_wait3A_619 = arith.constant 0 : i32
    %dma_wait3A_620 = tpu.memref_slice %arg4[%multiple_of3A_612, %dma_wait3A_619] : memref<819200x128xf32, #tpu.memory_space<hbm>> -> memref<128x128xf32, #tpu.memory_space<hbm>>
    %dma_wait3A_621 = tpu.memref_slice %arg8[%dma_wait3A_614] : memref<5x!tpu.dma_semaphore, #tpu.memory_space<semaphore_mem>> -> memref<1x!tpu.dma_semaphore, #tpu.memory_space<semaphore_mem>>
    %dma_wait3A_622 = tpu.memref_squeeze %dma_wait3A_621 : memref<1x!tpu.dma_semaphore, #tpu.memory_space<semaphore_mem>> -> memref<!tpu.dma_semaphore, #tpu.memory_space<semaphore_mem>>
    %dma_wait3A_623 = arith.constant 0 : i32
    %dma_wait3A_624 = tpu.memref_slice %arg4[%multiple_of3A_612, %dma_wait3A_623] : memref<819200x128xf32, #tpu.memory_space<hbm>> -> memref<128x128xf32, #tpu.memory_space<hbm>>
    %dma_wait3A_625 = arith.constant 0 : i32
    %dma_wait3A_626 = arith.constant 0 : i32
    %dma_wait3A_627 = tpu.memref_slice %arg6[%dma_wait3A_613, %dma_wait3A_625, %dma_wait3A_626] : memref<5x128x128xf32, #tpu.memory_space<vmem>> -> memref<1x128x128xf32, #tpu.memory_space<vmem>>
    %dma_wait3A_628 = tpu.memref_squeeze %dma_wait3A_627 : memref<1x128x128xf32, #tpu.memory_space<vmem>> -> memref<128x128xf32, #tpu.memory_space<vmem>>
    tpu.wait_dma2 semaphore(%dma_wait3A_622 : memref<!tpu.dma_semaphore, #tpu.memory_space<semaphore_mem>>) src(%dma_wait3A_628 : memref<128x128xf32, #tpu.memory_space<vmem>>) dst(%dma_wait3A_624 : memref<128x128xf32, #tpu.memory_space<hbm>>)
    %add3A_629 = arith.constant 25216 : i32
    %add3A_630 = arith.addi %multiple_of3A, %add3A_629 : i32
    %multiple_of3A_631 = tpu.assume_multiple %add3A_630, 128 : i32
    %dma_wait3A_632 = arith.constant 2 : i32
    %dma_wait3A_633 = arith.constant 2 : i32
    %dma_wait3A_634 = arith.constant 0 : i32
    %dma_wait3A_635 = arith.constant 0 : i32
    %dma_wait3A_636 = tpu.memref_slice %arg6[%dma_wait3A_632, %dma_wait3A_634, %dma_wait3A_635] : memref<5x128x128xf32, #tpu.memory_space<vmem>> -> memref<1x128x128xf32, #tpu.memory_space<vmem>>
    %dma_wait3A_637 = tpu.memref_squeeze %dma_wait3A_636 : memref<1x128x128xf32, #tpu.memory_space<vmem>> -> memref<128x128xf32, #tpu.memory_space<vmem>>
    %dma_wait3A_638 = arith.constant 0 : i32
    %dma_wait3A_639 = tpu.memref_slice %arg4[%multiple_of3A_631, %dma_wait3A_638] : memref<819200x128xf32, #tpu.memory_space<hbm>> -> memref<128x128xf32, #tpu.memory_space<hbm>>
    %dma_wait3A_640 = tpu.memref_slice %arg8[%dma_wait3A_633] : memref<5x!tpu.dma_semaphore, #tpu.memory_space<semaphore_mem>> -> memref<1x!tpu.dma_semaphore, #tpu.memory_space<semaphore_mem>>
    %dma_wait3A_641 = tpu.memref_squeeze %dma_wait3A_640 : memref<1x!tpu.dma_semaphore, #tpu.memory_space<semaphore_mem>> -> memref<!tpu.dma_semaphore, #tpu.memory_space<semaphore_mem>>
    %dma_wait3A_642 = arith.constant 0 : i32
    %dma_wait3A_643 = tpu.memref_slice %arg4[%multiple_of3A_631, %dma_wait3A_642] : memref<819200x128xf32, #tpu.memory_space<hbm>> -> memref<128x128xf32, #tpu.memory_space<hbm>>
    %dma_wait3A_644 = arith.constant 0 : i32
    %dma_wait3A_645 = arith.constant 0 : i32
    %dma_wait3A_646 = tpu.memref_slice %arg6[%dma_wait3A_632, %dma_wait3A_644, %dma_wait3A_645] : memref<5x128x128xf32, #tpu.memory_space<vmem>> -> memref<1x128x128xf32, #tpu.memory_space<vmem>>
    %dma_wait3A_647 = tpu.memref_squeeze %dma_wait3A_646 : memref<1x128x128xf32, #tpu.memory_space<vmem>> -> memref<128x128xf32, #tpu.memory_space<vmem>>
    tpu.wait_dma2 semaphore(%dma_wait3A_641 : memref<!tpu.dma_semaphore, #tpu.memory_space<semaphore_mem>>) src(%dma_wait3A_647 : memref<128x128xf32, #tpu.memory_space<vmem>>) dst(%dma_wait3A_643 : memref<128x128xf32, #tpu.memory_space<hbm>>)
    %add3A_648 = arith.constant 25344 : i32
    %add3A_649 = arith.addi %multiple_of3A, %add3A_648 : i32
    %multiple_of3A_650 = tpu.assume_multiple %add3A_649, 128 : i32
    %dma_wait3A_651 = arith.constant 3 : i32
    %dma_wait3A_652 = arith.constant 3 : i32
    %dma_wait3A_653 = arith.constant 0 : i32
    %dma_wait3A_654 = arith.constant 0 : i32
    %dma_wait3A_655 = tpu.memref_slice %arg6[%dma_wait3A_651, %dma_wait3A_653, %dma_wait3A_654] : memref<5x128x128xf32, #tpu.memory_space<vmem>> -> memref<1x128x128xf32, #tpu.memory_space<vmem>>
    %dma_wait3A_656 = tpu.memref_squeeze %dma_wait3A_655 : memref<1x128x128xf32, #tpu.memory_space<vmem>> -> memref<128x128xf32, #tpu.memory_space<vmem>>
    %dma_wait3A_657 = arith.constant 0 : i32
    %dma_wait3A_658 = tpu.memref_slice %arg4[%multiple_of3A_650, %dma_wait3A_657] : memref<819200x128xf32, #tpu.memory_space<hbm>> -> memref<128x128xf32, #tpu.memory_space<hbm>>
    %dma_wait3A_659 = tpu.memref_slice %arg8[%dma_wait3A_652] : memref<5x!tpu.dma_semaphore, #tpu.memory_space<semaphore_mem>> -> memref<1x!tpu.dma_semaphore, #tpu.memory_space<semaphore_mem>>
    %dma_wait3A_660 = tpu.memref_squeeze %dma_wait3A_659 : memref<1x!tpu.dma_semaphore, #tpu.memory_space<semaphore_mem>> -> memref<!tpu.dma_semaphore, #tpu.memory_space<semaphore_mem>>
    %dma_wait3A_661 = arith.constant 0 : i32
    %dma_wait3A_662 = tpu.memref_slice %arg4[%multiple_of3A_650, %dma_wait3A_661] : memref<819200x128xf32, #tpu.memory_space<hbm>> -> memref<128x128xf32, #tpu.memory_space<hbm>>
    %dma_wait3A_663 = arith.constant 0 : i32
    %dma_wait3A_664 = arith.constant 0 : i32
    %dma_wait3A_665 = tpu.memref_slice %arg6[%dma_wait3A_651, %dma_wait3A_663, %dma_wait3A_664] : memref<5x128x128xf32, #tpu.memory_space<vmem>> -> memref<1x128x128xf32, #tpu.memory_space<vmem>>
    %dma_wait3A_666 = tpu.memref_squeeze %dma_wait3A_665 : memref<1x128x128xf32, #tpu.memory_space<vmem>> -> memref<128x128xf32, #tpu.memory_space<vmem>>
    tpu.wait_dma2 semaphore(%dma_wait3A_660 : memref<!tpu.dma_semaphore, #tpu.memory_space<semaphore_mem>>) src(%dma_wait3A_666 : memref<128x128xf32, #tpu.memory_space<vmem>>) dst(%dma_wait3A_662 : memref<128x128xf32, #tpu.memory_space<hbm>>)
    %add3A_667 = arith.constant 25472 : i32
    %add3A_668 = arith.addi %multiple_of3A, %add3A_667 : i32
    %multiple_of3A_669 = tpu.assume_multiple %add3A_668, 128 : i32
    %dma_wait3A_670 = arith.constant 4 : i32
    %dma_wait3A_671 = arith.constant 4 : i32
    %dma_wait3A_672 = arith.constant 0 : i32
    %dma_wait3A_673 = arith.constant 0 : i32
    %dma_wait3A_674 = tpu.memref_slice %arg6[%dma_wait3A_670, %dma_wait3A_672, %dma_wait3A_673] : memref<5x128x128xf32, #tpu.memory_space<vmem>> -> memref<1x128x128xf32, #tpu.memory_space<vmem>>
    %dma_wait3A_675 = tpu.memref_squeeze %dma_wait3A_674 : memref<1x128x128xf32, #tpu.memory_space<vmem>> -> memref<128x128xf32, #tpu.memory_space<vmem>>
    %dma_wait3A_676 = arith.constant 0 : i32
    %dma_wait3A_677 = tpu.memref_slice %arg4[%multiple_of3A_669, %dma_wait3A_676] : memref<819200x128xf32, #tpu.memory_space<hbm>> -> memref<128x128xf32, #tpu.memory_space<hbm>>
    %dma_wait3A_678 = tpu.memref_slice %arg8[%dma_wait3A_671] : memref<5x!tpu.dma_semaphore, #tpu.memory_space<semaphore_mem>> -> memref<1x!tpu.dma_semaphore, #tpu.memory_space<semaphore_mem>>
    %dma_wait3A_679 = tpu.memref_squeeze %dma_wait3A_678 : memref<1x!tpu.dma_semaphore, #tpu.memory_space<semaphore_mem>> -> memref<!tpu.dma_semaphore, #tpu.memory_space<semaphore_mem>>
    %dma_wait3A_680 = arith.constant 0 : i32
    %dma_wait3A_681 = tpu.memref_slice %arg4[%multiple_of3A_669, %dma_wait3A_680] : memref<819200x128xf32, #tpu.memory_space<hbm>> -> memref<128x128xf32, #tpu.memory_space<hbm>>
    %dma_wait3A_682 = arith.constant 0 : i32
    %dma_wait3A_683 = arith.constant 0 : i32
    %dma_wait3A_684 = tpu.memref_slice %arg6[%dma_wait3A_670, %dma_wait3A_682, %dma_wait3A_683] : memref<5x128x128xf32, #tpu.memory_space<vmem>> -> memref<1x128x128xf32, #tpu.memory_space<vmem>>
    %dma_wait3A_685 = tpu.memref_squeeze %dma_wait3A_684 : memref<1x128x128xf32, #tpu.memory_space<vmem>> -> memref<128x128xf32, #tpu.memory_space<vmem>>
    tpu.wait_dma2 semaphore(%dma_wait3A_679 : memref<!tpu.dma_semaphore, #tpu.memory_space<semaphore_mem>>) src(%dma_wait3A_685 : memref<128x128xf32, #tpu.memory_space<vmem>>) dst(%dma_wait3A_681 : memref<128x128xf32, #tpu.memory_space<hbm>>)
    return
  }
}

</mosaic_0001>

<sc_bundles>
// kernel: _embedding_lookup.3.cloned.1.call-start
scs
__scs_entry_jumppad:
0x0: {  	(pc) =	sbr.rel $0x88, $3  }
0x1: {  	(tag) =	ssettag $0x0;
	lr =	simm.s32 $0x1  }
0x2: {  	[smem:$0x3F9F] =	sst lr;
	_ =	strace $0xD0000000  }
0x3: {  	_ = 	snop  }
0x4: {  	_ = 	snop  }
0x5: {  	_ = 	snop  }
0x6: {  	_ = 	snop  }
0x7: {  	_ = 	snop  }
__scs_overlays_trampoline_lowered:
0x8: {  	[smem:$0x3FAE] =	sst s0  }
0x9: {  	[smem:$0x3FAF] =	sst s1  }
0xa: {  	[smem:$0x3FB0] =	sst s2  }
0xb: {  	[smem:$0x3FB1] =	sst s3  }
0xc: {  	[smem:$0x3FB2] =	sst s4  }
0xd: {  	[smem:$0x3FB3] =	sst s5  }
0xe: {  	[smem:$0x3FB4] =	sst s6  }
0xf: {  	[smem:$0x3FB5] =	sst s7  }
0x10: {  	[smem:$0x3FB6] =	sst s8  }
0x11: {  	[smem:$0x3FB7] =	sst s9;
	s0 =	simm.s32 @!p0 $0x0  }
0x12: {  	s1 =	sld [smem:$0x3F9D];
	s0 =	simm.s32 @p0 $0x1  }
0x13: {  	[smem:$0x3FB8] =	sst s0;
	s0 =	simm.s32 @!p1 $0x0  }
0x14: {  	s2 =	sld [smem:$0x3F9C];
	s0 =	simm.s32 @p1 $0x1  }
0x15: {  	[smem:$0x3FB9] =	sst s0;
	s0 =	simm.s32 @!p2 $0x0  }
0x16: {  	s3 =	sld [smem:$0x3FDB];
	s0 =	simm.s32 @p2 $0x1  }
0x17: {  	s4 =	simm.s32 $0x1BF5;
	[smem:$0x3FBB] =	sst s0  }
0x18: {  	s0 =	sld [smem:$0x3F9E];
	_ =	swait.ge [sflag:s4], $0x0  }
0x19: {  	s7 =	sld [smem:$0x3F9F]  }
0x1a: {  	s8 =	sadd.s32 $0xFFFFE003, lr  }
0x1b: {  	s9 =	sadd.s32 $0xFFFFFEF7, lr;
	s5 =	simm.s32 $0xFFFFFFFF;
	p2 =	slt.u32 s8, $0xFFFFF086  }
0x1c: {  	p1 =	slt.u32 s9, $0xF7A;
	s5 =	simm.s32 @!p2 $0x0  }
0x1d: {  	s5 =	simm.s32 @p1 $0x1;
	p0 =	seq.s32 s7, s2  }
0x1e: {  	s7 =	smul.u32 @!p0 $0xF7A, s2;
	p2 =	seq.s32 @!p0 s5, $0x0  }
0x1f: {  	s9 =	smul.u32 $0xF7A, s1;
	s8 =	simm.s32 @!p0 $0x1BF5;
	p2 =	por !p2, p0  }
0x20: {  	[sflag:s8] =	ssyncset.s32 @!p0 $0xFFFFF086;
	s6 =	sadd.s32 @!p0 s3, s7;
	s7 =	simm.s32 @!p0 $0x108  }
0x21: {  	s3 =	sadd.s32 s3, s9;
	s6 =	sadd.s32 @!p0 $0x88, s6;
	s7 =	simm.s32 @p2 $0x1082  }
0x22: {  	[simem:s7], [sflag:s8] =	dma.local @!p0 [hbm:s6], $0xF7A  }
0x23: {  	s9 =	sor.u32 $0xD0000000, s2;
	s6 =	simm.s32 $0x108;
	_ =	swait.ge @!p0 [sflag:s8], $0x0  }
0x24: {  	s3 =	sadd.s32 $0x88, s3;
	s6 =	simm.s32 @!p1 $0x1082;
	[sflag:s4] =	ssyncset.s32 $0xFFFFF086  }
0x25: {  	[simem:s6], [sflag:s4] =	dma.local [hbm:s3], $0xF7A  }
0x26: {  	[smem:$0x3F9F] =	sst s1;
	(tag) =	ssettag s2;
	_ =	strace s9  }
0x27: {  	s1 =	sld [smem:$0x3FAF]  }
0x28: {  	s2 =	sld [smem:$0x3FB0]  }
0x29: {  	s4 =	sld [smem:$0x3FB2]  }
0x2a: {  	p0 =	seq.s32 s5, $0x0;
	s5 =	sld [smem:$0x3FB3]  }
0x2b: {  	s6 =	sld [smem:$0x3FB4]  }
0x2c: {  	s7 =	sld [smem:$0x3FB5]  }
0x2d: {  	s3 =	simm.s32 $0x108;
	s8 =	sld [smem:$0x3FB6]  }
0x2e: {  	s3 =	simm.s32 @!p0 $0x1082;
	s9 =	sld [smem:$0x3FB7]  }
0x2f: {  	lr =	sadd.s32 s0, s3;
	s0 =	sld [smem:$0x3FAE]  }
0x30: {  	s3 =	sld [smem:$0x3FB1]  }
0x31: {  	[smem:$0x3FBA] =	sst s10  }
0x32: {  	s10 =	sld [smem:$0x3FB8];
	_ =	sdelay $0x3  }
0x33: {  	p0 =	seq.s32 s10, $0x1;
	s10 =	sld [smem:$0x3FBA];
	_ =	sdelay $0x3  }
0x34: {  	[smem:$0x3FBA] =	sst s10  }
0x35: {  	s10 =	sld [smem:$0x3FB9];
	_ =	sdelay $0x3  }
0x36: {  	p1 =	seq.s32 s10, $0x1;
	s10 =	sld [smem:$0x3FBA];
	_ =	sdelay $0x3  }
0x37: {  	[smem:$0x3FBA] =	sst s10  }
0x38: {  	s10 =	sld [smem:$0x3FBB]  }
0x39: {  	_ = 	snop;
	(pc) =	sbr.ind lr, $3  }
0x3a: {  	_ = 	snop  }
0x3b: {  	_ = 	snop  }
0x3c: {  	p2 =	seq.s32 s10, $0x1;
	s10 =	sld [smem:$0x3FBA]  }
0x3d: {  	_ =	shalt  }
0x3e: {  	_ =	shalt  }
0x3f: {  	_ =	shalt  }
0x40: {  	_ =	shalt  }
0x41: {  	_ =	shalt  }
0x42: {  	_ =	shalt  }
0x43: {  	_ =	shalt  }
0x44: {  	_ =	shalt  }
0x45: {  	_ =	shalt  }
0x46: {  	_ =	shalt  }
0x47: {  	_ =	shalt  }
0x48: {  	_ =	shalt  }
0x49: {  	_ =	shalt  }
0x4a: {  	_ =	shalt  }
0x4b: {  	_ =	shalt  }
0x4c: {  	_ =	shalt  }
0x4d: {  	_ =	shalt  }
0x4e: {  	_ =	shalt  }
0x4f: {  	_ =	shalt  }
0x50: {  	_ =	shalt  }
0x51: {  	_ =	shalt  }
0x52: {  	_ =	shalt  }
0x53: {  	_ =	shalt  }
0x54: {  	_ =	shalt  }
0x55: {  	_ =	shalt  }
0x56: {  	_ =	shalt  }
0x57: {  	_ =	shalt  }
0x58: {  	_ =	shalt  }
0x59: {  	_ =	shalt  }
0x5a: {  	_ =	shalt  }
0x5b: {  	_ =	shalt  }
0x5c: {  	_ =	shalt  }
0x5d: {  	_ =	shalt  }
0x5e: {  	_ =	shalt  }
0x5f: {  	_ =	shalt  }
0x60: {  	_ =	shalt  }
0x61: {  	_ =	shalt  }
0x62: {  	_ =	shalt  }
0x63: {  	_ =	shalt  }
0x64: {  	_ =	shalt  }
0x65: {  	_ =	shalt  }
0x66: {  	_ =	shalt  }
0x67: {  	_ =	shalt  }
0x68: {  	_ =	shalt  }
0x69: {  	_ =	shalt  }
0x6a: {  	_ =	shalt  }
0x6b: {  	_ =	shalt  }
0x6c: {  	_ =	shalt  }
0x6d: {  	_ =	shalt  }
0x6e: {  	_ =	shalt  }
0x6f: {  	_ =	shalt  }
0x70: {  	_ =	shalt  }
0x71: {  	_ =	shalt  }
0x72: {  	_ =	shalt  }
0x73: {  	_ =	shalt  }
0x74: {  	_ =	shalt  }
0x75: {  	_ =	shalt  }
0x76: {  	_ =	shalt  }
0x77: {  	_ =	shalt  }
0x78: {  	_ =	shalt  }
0x79: {  	_ =	shalt  }
0x7a: {  	_ =	shalt  }
0x7b: {  	_ =	shalt  }
0x7c: {  	_ =	shalt  }
0x7d: {  	_ =	shalt  }
0x7e: {  	_ =	shalt  }
0x7f: {  	_ =	shalt  }
0x80: {  	_ =	shalt  }
0x81: {  	_ =	shalt  }
0x82: {  	_ =	shalt  }
0x83: {  	_ =	shalt  }
0x84: {  	_ =	shalt  }
0x85: {  	_ =	shalt  }
0x86: {  	_ =	shalt  }
0x87: {  	_ =	shalt  }
.Lfunc_end0:
.L_simem_size_0:
called_computation.1_lowered:
.L_overlay_start_0:
0x88: {  	s2 =	sld [smem:$0x3FD9]  }
0x89: {  	s3 =	sld [smem:$0x3FFE];
	_ =	sdelay $0x1  }
0x8a: {  	s1 =	srdreg.scid  }
0x8b: {  	s0 =	sand.u32 $0x1, s1  }
0x8c: {  	s17 =	sshll.u32 s0, $0xA;
	s2 =	sadd.s32 s3, s2  }
0x8d: {  	s2 =	sadd.s32 s2, s17  }
0x8e: {  	[smem:$0x3FC6] =	sst s2  }
0x8f: {  	_ = 	snop  }
0x90: {  	s2 =	sld [smem:$0x3FD0];
	(tm) =	ssettm $0x1  }
0x91: {  	s18 =	sld [smem:$0x3FFB];
	_ =	sdelay $0x3  }
0x92: {  	_ =	strace s18  }
0x93: {  	s3 =	sld [smem:$0x3FFC];
	_ =	sdelay $0x3  }
0x94: {  	_ =	strace s3  }
0x95: {  	s3 =	sld [smem:$0x3FFD];
	_ =	sdelay $0x3  }
0x96: {  	_ =	strace s3  }
0x97: {  	_ =	strace $0x8FFFFFFF  }
0x98: {  	s19 =	sld [smem:$0x3FDB];
	_ =	sdelay $0x1  }
0x99: {  	s4 =	simm.s32 $_scs_section_size  }
0x9a: {  	s5 =	simm.s32 $_size__tile_overlayer_lowered;
	s6 =	simm.s32 $_tile_overlayer_lowered  }
0x9b: {  	s22 =	simm.s32 $0x1BFF;
	s21 =	sshll.u32 s6, $0x1;
	s3 =	sadd.s32 s4, s19  }
0x9c: {  	s7 =	simm.s32 $0x0;
	s20 =	sshll.u32 s5, $0x1;
	s5 =	sadd.s32 s21, s3  }
0x9d: {  	[timem:s7], [sflag:s22] =	dma.local [hbm:s5], s20  }
0x9e: {  	_ =	swait.ge [sflag:s22], s20  }
0x9f: {  	s4 =	ssub.s32 $0x0, s20;
	[sflag:s22] =	ssyncset.done $0x0  }
0xa0: {  	[sflag:s22] =	ssyncadd.s32 s4;
	_ =	sdelay $0x1  }
0xa1: {  	s23 =	simm.s32 $0x1B8B  }
0xa2: {  	_ =	swait.ge [sflag:s23], $0x1  }
0xa3: {  	[sflag:s23] =	ssyncset.done $0x0  }
0xa4: {  	s25 =	simm.s32 $0x1B8E;
	s24 =	sld [smem:$0x3FFE];
	[sflag:s23] =	ssyncadd.s32 $0xFFFFFFFF  }
0xa5: {  	s26 =	simm.s32 $execute0_lowered;
	[smem:$0x3FD2] =	sst s25  }
0xa6: {  	s5 =	sshll.u32 s26, $0x1;
	_ =	strace $0x80000046;
	[dreg:$0x1] =	wrdreg $0xFFFFFFFF  }
0xa7: {  	s28 =	simm.s32 $_size_execute0_lowered;
	s3 =	sadd.s32 s3, s5;
	[dreg:$0x0] =	wrdreg $0x0  }
0xa8: {  	s5 =	sshll.u32 s28, $0x1;
	[dreg:$0x2] =	wrdreg s3  }
0xa9: {  	[dreg:$0x3] =	wrdreg s5  }
0xaa: {  	[dreg:$0x4] =	wrdreg $0xC0  }
0xab: {  	_ =	task [dreg:s7], $0x5FFFF  }
0xac: {  	[dreg:$0x1] =	wrdreg $0xFFFFFFFF  }
0xad: {  	[dreg:$0x0] =	wrdreg $0x60  }
0xae: {  	[dreg:$0x2] =	wrdreg s24  }
0xaf: {  	[dreg:$0x3] =	wrdreg s2  }
0xb0: {  	[dreg:$0x4] =	wrdreg $0x9  }
0xb1: {  	_ =	task.clear_ibuf [dreg:s7], $0x5FFFF;
	_ =	strace $0x90000046  }
0xb2: {  	s29 =	simm.s32 $0x9;
	_ =	strace $0x80000048  }
0xb3: {  	_ =	swait.ge [sflag:s29], $0x1  }
0xb4: {  	[sflag:s29] =	ssyncadd.s32 $0xFFFFFFFF  }
0xb5: {  	_ =	strace $0x90000048  }
0xb6: {  	_ =	sfence  }
0xb7: {  	s30 =	sld [smem:$0x0];
	_ =	sdelay $0x2  }
0xb8: {  	s31 =	sshll.u32 s1, $0xD;
	s1 =	sshrl.u32 s1, $0x2  }
0xb9: {  	s3 =	sand.u32 $0x4000, s31;
	s1 =	sadd.s32 s1, s30  }
0xba: {  	s0 =	sor.u32 s3, s0;
	s1 =	sshll.u32 s1, $0x11  }
0xbb: {  	s0 =	sor.u32 s1, s0  }
0xbc: {  	s0 =	sadd.s32 $0x8F2B, s0  }
0xbd: {  	[sflag:s0] =	ssyncadd.remote.s32 $0x1  }
0xbe: {  	_ =	sfence.sel $0xFFFF  }
0xbf: {  	[dreg:$0x0] =	wrdreg $0xFFFFFFFF;
	(pc) =	sbr.abs _section_cstart, $3  }
0xc0: {  	[dreg:$0x1] =	wrdreg $0xFFFFFFFF  }
0xc1: {  	_ =	task.clear_ibuf [dreg:s7], $0x2FFFF;
	_ =	strace $0x9FFFFFFF  }
0xc2: {  	(tm) =	ssettm $0x7FFFFFFF  }
0xc3: {  	_ =	shalt  }
tec
execute0_lowered:
.L_overlay_start_1:
0x0: {  	(tag) =	ssettag $0x1  }
0x1: {  	s0 =	rddreg [dreg:$0x0];
	s1 =	srdreg.scid  }
0x2: {  	s11 =	stileid.u32;
	s5 =	rddreg [dreg:$0x1];
	s2 =	simm.s32 $0x0  }
0x3: {  	s17 =	simm.s32 $0xB;
	s18 =	simm.s32 $0x80;
	s19 =	simm.s32 $0x6400  }
0x4: {  	s28 =	simm.s32 $0x16400;
	s29 =	simm.s32 $0x2;
	s30 =	simm.s32 $0x6  }
0x5: {  	s31 =	simm.s32 $0x9;
	s1 =	sand.u32 $0x1, s1;
	s3 =	sshll.u32 s11, $0x1  }
0x6: {  	[smem:$0x7FF] =	sst s2;
	s25 =	smul.u32 $0xC8000, s11;
	s6 =	sor.u32 s1, s3  }
0x7: {  	_ =	strace $0x80000047;
	s7 =	ssub.s32 $0x2, s1;
	s4 =	smul.u32 $0x6400, s6  }
0x8: {  	s3 =	sadd.s32 $0xF43200, s0;
	s0 =	sadd.s32 $0xA00, s0;
	s8 =	smul.u32 $0x64000, s6  }
0x9: {  	s1 =	smul.u32 $0x64000, s1;
	s9 =	sshrl.u32 s7, $0x1;
	s10 =	sshrl.u32 s4, $0x3  }
0xa: {  	s6 =	smul.u32 $0x320000, s6;
	s4 =	sadd.s32 s0, s8;
	s5 =	sadd.s32 s5, s10  }
0xb: {  	s7 =	ssub.s32 s7, s9;
	s20 =	sadd.s32 $0x800, s4;
	[dreg:$0x3] =	wrdreg s5  }
0xc: {  	s23 =	sshrl.u32 s6, $0x3;
	s21 =	sadd.s32 $0x1000, s4;
	[dreg:$0x4] =	wrdreg s20  }
0xd: {  	s15 =	smax.u32 s7, $0x1;
	s22 =	sadd.s32 $0x1800, s4;
	[dreg:$0x5] =	wrdreg s21  }
0xe: {  	s6 =	simm.s32 $0x0;
	s24 =	sadd.s32 $0x2000, s4;
	[dreg:$0x6] =	wrdreg s22  }
0xf: {  	[dreg:$0x7] =	wrdreg s24;
	s5 =	sadd.s32 s0, s23;
	s0 =	sadd.s32 s25, s0  }
0x10: {  	s20 =	simm.s32 $0xA400;
	s22 =	simm.s32 $0xE400;
	s24 =	simm.s32 $0x12400  }
0x11: {  	s25 =	simm.s32 $0x1;
	s23 =	simm.s32 $0x4;
	s21 =	simm.s32 $0x5  }
0x12: {  	s26 =	sadd.s32 $0x61800, s5;
	s11 =	sadd.s32 $0x62000, s5;
	s12 =	sadd.s32 $0x62800, s5  }
0x13: {  	s13 =	sadd.s32 $0x63000, s5;
	s14 =	sadd.s32 $0x63800, s5;
	s0 =	sadd.s32 s1, s0  }
0x14: {  	s1 =	simm.s32 $0x3;
	s5 =	simm.s32 $0xA;
	[dreg:$0x8] =	wrdreg s26  }
0x15: {  	s16 =	sadd.s32 $0x4800, s0;
	s0 =	simm.s32 $0x7;
	s26 =	simm.s32 $0x8  }
.LBB2_1:
0x16: {  	s7 =	rddreg [dreg:$0x3]  }
0x17: {  	[tilespmem:s2], [sflag:$0xB] =	stream.linear.gather [hbm4b:s7+s2], $0x6400, $0x38;
	[tilespmem:$0x1A400] =	vst v63  }
0x18: {  	_ =	swait.ge [sflag:s17], $0x6400  }
0x19: {  	[sflag:s17] =	ssyncset.done $0x0  }
0x1a: {  	[sflag:s17] =	ssyncadd.s32 $0xFFFF9C00  }
0x1b: {  	[tilespmem:s19], [sflag:$0x1] =	stream.indirect.gather [hbm4b:s3+s18], $0x80, s2, s18, $0xb8;
	[tilespmem:$0x1A400] =	vst v63  }
0x1c: {  	_ = 	snop  }
0x1d: {  	[tilespmem:s20], [sflag:$0x2] =	stream.indirect.gather [hbm4b:s3+s18], $0x80, s18, s18, $0xb8;
	[tilespmem:$0x1A400] =	vst v63  }
0x1e: {  	s10 =	simm.s32 $0x100  }
0x1f: {  	[tilespmem:s22], [sflag:$0x3] =	stream.indirect.gather [hbm4b:s3+s18], $0x80, s10, s18, $0xb8;
	[tilespmem:$0x1A400] =	vst v63  }
0x20: {  	s8 =	simm.s32 $0x180  }
0x21: {  	[tilespmem:s24], [sflag:$0x4] =	stream.indirect.gather [hbm4b:s3+s18], $0x80, s8, s18, $0xb8;
	[tilespmem:$0x1A400] =	vst v63  }
0x22: {  	_ =	swait.ge [sflag:s25], $0x4000  }
0x23: {  	[sflag:s25] =	ssyncset.done $0x0  }
0x24: {  	[sflag:s25] =	ssyncadd.s32 $0xFFFFC000  }
0x25: {  	[hbm4b:s4+s2] =	stream.linear.scatter [tilespmem:s19], [sflag:$0x6], $0x4000, $0x38;
	[tilespmem:$0x1A400] =	vst v63  }
0x26: {  	s9 =	simm.s32 $0x200  }
0x27: {  	[tilespmem:s28], [sflag:$0x5] =	stream.indirect.gather [hbm4b:s3+s18], $0x80, s9, s18, $0xb8;
	[tilespmem:$0x1A400] =	vst v63  }
0x28: {  	_ =	swait.ge [sflag:s29], $0x4000  }
0x29: {  	[sflag:s29] =	ssyncset.done $0x0  }
0x2a: {  	s10 =	rddreg [dreg:$0x4];
	[sflag:s29] =	ssyncadd.s32 $0xFFFFC000  }
0x2b: {  	[hbm4b:s10+s2] =	stream.linear.scatter [tilespmem:s20], [sflag:$0x7], $0x4000, $0x38;
	[tilespmem:$0x1A400] =	vst v63  }
0x2c: {  	_ =	swait.ge [sflag:s30], $0x4000  }
0x2d: {  	[sflag:s30] =	ssyncset.done $0x0  }
0x2e: {  	s8 =	simm.s32 $0x280;
	[sflag:s30] =	ssyncadd.s32 $0xFFFFC000  }
0x2f: {  	[tilespmem:s19], [sflag:$0x1] =	stream.indirect.gather [hbm4b:s3+s18], $0x80, s8, s18, $0xb8;
	[tilespmem:$0x1A400] =	vst v63  }
0x30: {  	_ =	swait.ge [sflag:s1], $0x4000  }
0x31: {  	[sflag:s1] =	ssyncset.done $0x0  }
0x32: {  	s9 =	rddreg [dreg:$0x5];
	[sflag:s1] =	ssyncadd.s32 $0xFFFFC000  }
0x33: {  	[hbm4b:s9+s2] =	stream.linear.scatter [tilespmem:s22], [sflag:$0x8], $0x4000, $0x38;
	[tilespmem:$0x1A400] =	vst v63  }
0x34: {  	_ =	swait.ge [sflag:s0], $0x4000  }
0x35: {  	[sflag:s0] =	ssyncset.done $0x0  }
0x36: {  	s10 =	simm.s32 $0x300;
	[sflag:s0] =	ssyncadd.s32 $0xFFFFC000  }
0x37: {  	[tilespmem:s20], [sflag:$0x2] =	stream.indirect.gather [hbm4b:s3+s18], $0x80, s10, s18, $0xb8;
	[tilespmem:$0x1A400] =	vst v63  }
0x38: {  	_ =	swait.ge [sflag:s23], $0x4000  }
0x39: {  	[sflag:s23] =	ssyncset.done $0x0  }
0x3a: {  	s8 =	rddreg [dreg:$0x6];
	[sflag:s23] =	ssyncadd.s32 $0xFFFFC000  }
0x3b: {  	[hbm4b:s8+s2] =	stream.linear.scatter [tilespmem:s24], [sflag:$0x9], $0x4000, $0x38;
	[tilespmem:$0x1A400] =	vst v63  }
0x3c: {  	_ =	swait.ge [sflag:s26], $0x4000  }
0x3d: {  	[sflag:s26] =	ssyncset.done $0x0  }
0x3e: {  	s9 =	simm.s32 $0x380;
	[sflag:s26] =	ssyncadd.s32 $0xFFFFC000  }
0x3f: {  	[tilespmem:s22], [sflag:$0x3] =	stream.indirect.gather [hbm4b:s3+s18], $0x80, s9, s18, $0xb8;
	[tilespmem:$0x1A400] =	vst v63  }
0x40: {  	_ =	swait.ge [sflag:s21], $0x4000  }
0x41: {  	[sflag:s21] =	ssyncset.done $0x0  }
0x42: {  	s10 =	rddreg [dreg:$0x7];
	[sflag:s21] =	ssyncadd.s32 $0xFFFFC000  }
0x43: {  	[hbm4b:s10+s2] =	stream.linear.scatter [tilespmem:s28], [sflag:$0xA], $0x4000, $0x38;
	[tilespmem:$0x1A400] =	vst v63  }
0x44: {  	_ =	swait.ge [sflag:s31], $0x4000  }
0x45: {  	[sflag:s31] =	ssyncset.done $0x0  }
0x46: {  	s8 =	simm.s32 $0x400;
	[sflag:s31] =	ssyncadd.s32 $0xFFFFC000  }
0x47: {  	[tilespmem:s24], [sflag:$0x4] =	stream.indirect.gather [hbm4b:s3+s18], $0x80, s8, s18, $0xb8;
	[tilespmem:$0x1A400] =	vst v63  }
0x48: {  	_ =	swait.ge [sflag:s25], $0x4000  }
0x49: {  	[sflag:s25] =	ssyncset.done $0x0  }
0x4a: {  	s9 =	sadd.s32 $0xFFFFE000, s16;
	[sflag:s25] =	ssyncadd.s32 $0xFFFFC000  }
0x4b: {  	[hbm4b:s9+s2] =	stream.linear.scatter [tilespmem:s19], [sflag:$0x6], $0x4000, $0x38;
	[tilespmem:$0x1A400] =	vst v63  }
0x4c: {  	_ =	swait.ge [sflag:s5], $0x4000  }
0x4d: {  	[sflag:s5] =	ssyncset.done $0x0  }
0x4e: {  	s10 =	simm.s32 $0x480;
	[sflag:s5] =	ssyncadd.s32 $0xFFFFC000  }
0x4f: {  	[tilespmem:s28], [sflag:$0x5] =	stream.indirect.gather [hbm4b:s3+s18], $0x80, s10, s18, $0xb8;
	[tilespmem:$0x1A400] =	vst v63  }
0x50: {  	_ =	swait.ge [sflag:s29], $0x4000  }
0x51: {  	[sflag:s29] =	ssyncset.done $0x0  }
0x52: {  	s8 =	sadd.s32 $0xFFFFE800, s16;
	[sflag:s29] =	ssyncadd.s32 $0xFFFFC000  }
0x53: {  	[hbm4b:s8+s2] =	stream.linear.scatter [tilespmem:s20], [sflag:$0x7], $0x4000, $0x38;
	[tilespmem:$0x1A400] =	vst v63  }
0x54: {  	_ =	swait.ge [sflag:s30], $0x4000  }
0x55: {  	[sflag:s30] =	ssyncset.done $0x0  }
0x56: {  	s9 =	simm.s32 $0x500;
	[sflag:s30] =	ssyncadd.s32 $0xFFFFC000  }
0x57: {  	[tilespmem:s19], [sflag:$0x1] =	stream.indirect.gather [hbm4b:s3+s18], $0x80, s9, s18, $0xb8;
	[tilespmem:$0x1A400] =	vst v63  }
0x58: {  	_ =	swait.ge [sflag:s1], $0x4000  }
0x59: {  	[sflag:s1] =	ssyncset.done $0x0  }
0x5a: {  	s10 =	sadd.s32 $0xFFFFF000, s16;
	[sflag:s1] =	ssyncadd.s32 $0xFFFFC000  }
0x5b: {  	[hbm4b:s10+s2] =	stream.linear.scatter [tilespmem:s22], [sflag:$0x8], $0x4000, $0x38;
	[tilespmem:$0x1A400] =	vst v63  }
0x5c: {  	_ =	swait.ge [sflag:s0], $0x4000  }
0x5d: {  	[sflag:s0] =	ssyncset.done $0x0  }
0x5e: {  	s8 =	simm.s32 $0x580;
	[sflag:s0] =	ssyncadd.s32 $0xFFFFC000  }
0x5f: {  	[tilespmem:s20], [sflag:$0x2] =	stream.indirect.gather [hbm4b:s3+s18], $0x80, s8, s18, $0xb8;
	[tilespmem:$0x1A400] =	vst v63  }
0x60: {  	_ =	swait.ge [sflag:s23], $0x4000  }
0x61: {  	[sflag:s23] =	ssyncset.done $0x0  }
0x62: {  	s9 =	sadd.s32 $0xFFFFF800, s16;
	[sflag:s23] =	ssyncadd.s32 $0xFFFFC000  }
0x63: {  	[hbm4b:s9+s2] =	stream.linear.scatter [tilespmem:s24], [sflag:$0x9], $0x4000, $0x38;
	[tilespmem:$0x1A400] =	vst v63  }
0x64: {  	_ =	swait.ge [sflag:s26], $0x4000  }
0x65: {  	[sflag:s26] =	ssyncset.done $0x0  }
0x66: {  	s10 =	simm.s32 $0x600;
	[sflag:s26] =	ssyncadd.s32 $0xFFFFC000  }
0x67: {  	[tilespmem:s22], [sflag:$0x3] =	stream.indirect.gather [hbm4b:s3+s18], $0x80, s10, s18, $0xb8;
	[tilespmem:$0x1A400] =	vst v63  }
0x68: {  	_ =	swait.ge [sflag:s21], $0x4000  }
0x69: {  	[sflag:s21] =	ssyncset.done $0x0  }
0x6a: {  	[sflag:s21] =	ssyncadd.s32 $0xFFFFC000  }
0x6b: {  	[hbm4b:s16+s2] =	stream.linear.scatter [tilespmem:s28], [sflag:$0xA], $0x4000, $0x38;
	[tilespmem:$0x1A400] =	vst v63  }
0x6c: {  	_ =	swait.ge [sflag:s31], $0x4000  }
0x6d: {  	s7 =	simm.s32 $0xA00;
	[sflag:s31] =	ssyncset.done $0x0  }
0x6e: {  	s8 =	sadd.s32 $0x2800, s16;
	s9 =	simm.s32 $0x680;
	[sflag:s31] =	ssyncadd.s32 $0xFFFFC000  }
.LBB2_2:
0x6f: {  	[tilespmem:s24], [sflag:$0x4] =	stream.indirect.gather [hbm4b:s3+s18], $0x80, s9, s18, $0xb8;
	[tilespmem:$0x1A400] =	vst v63  }
0x70: {  	s9 =	smov.u32 s7  }
0x71: {  	p0 =	sne.s32 s7, $0x17200;
	s7 =	sadd.s32 $0xA00, s7;
	_ =	swait.ge [sflag:s25], $0x4000  }
0x72: {  	[sflag:s25] =	ssyncset.done $0x0  }
0x73: {  	s10 =	sadd.s32 $0xFFFFE000, s8;
	[sflag:s25] =	ssyncadd.s32 $0xFFFFC000  }
0x74: {  	[hbm4b:s10+s2] =	stream.linear.scatter [tilespmem:s19], [sflag:$0x6], $0x4000, $0x38;
	[tilespmem:$0x1A400] =	vst v63  }
0x75: {  	_ =	swait.ge [sflag:s5], $0x4000  }
0x76: {  	s9 =	sshra.s32 s9, $0x2;
	[sflag:s5] =	ssyncset.done $0x0  }
0x77: {  	s10 =	sadd.s32 $0x480, s9;
	[sflag:s5] =	ssyncadd.s32 $0xFFFFC000  }
0x78: {  	[tilespmem:s28], [sflag:$0x5] =	stream.indirect.gather [hbm4b:s3+s18], $0x80, s10, s18, $0xb8;
	[tilespmem:$0x1A400] =	vst v63  }
0x79: {  	_ =	swait.ge [sflag:s29], $0x4000  }
0x7a: {  	[sflag:s29] =	ssyncset.done $0x0  }
0x7b: {  	s10 =	sadd.s32 $0xFFFFE800, s8;
	[sflag:s29] =	ssyncadd.s32 $0xFFFFC000  }
0x7c: {  	[hbm4b:s10+s2] =	stream.linear.scatter [tilespmem:s20], [sflag:$0x7], $0x4000, $0x38;
	[tilespmem:$0x1A400] =	vst v63  }
0x7d: {  	_ =	swait.ge [sflag:s30], $0x4000  }
0x7e: {  	[sflag:s30] =	ssyncset.done $0x0  }
0x7f: {  	s10 =	sadd.s32 $0x500, s9;
	[sflag:s30] =	ssyncadd.s32 $0xFFFFC000  }
0x80: {  	[tilespmem:s19], [sflag:$0x1] =	stream.indirect.gather [hbm4b:s3+s18], $0x80, s10, s18, $0xb8;
	[tilespmem:$0x1A400] =	vst v63  }
0x81: {  	_ =	swait.ge [sflag:s1], $0x4000  }
0x82: {  	[sflag:s1] =	ssyncset.done $0x0  }
0x83: {  	s10 =	sadd.s32 $0xFFFFF000, s8;
	[sflag:s1] =	ssyncadd.s32 $0xFFFFC000  }
0x84: {  	[hbm4b:s10+s2] =	stream.linear.scatter [tilespmem:s22], [sflag:$0x8], $0x4000, $0x38;
	[tilespmem:$0x1A400] =	vst v63  }
0x85: {  	_ =	swait.ge [sflag:s0], $0x4000  }
0x86: {  	[sflag:s0] =	ssyncset.done $0x0  }
0x87: {  	s10 =	sadd.s32 $0x580, s9;
	[sflag:s0] =	ssyncadd.s32 $0xFFFFC000  }
0x88: {  	[tilespmem:s20], [sflag:$0x2] =	stream.indirect.gather [hbm4b:s3+s18], $0x80, s10, s18, $0xb8;
	[tilespmem:$0x1A400] =	vst v63  }
0x89: {  	_ =	swait.ge [sflag:s23], $0x4000  }
0x8a: {  	[sflag:s23] =	ssyncset.done $0x0  }
0x8b: {  	s10 =	sadd.s32 $0xFFFFF800, s8;
	[sflag:s23] =	ssyncadd.s32 $0xFFFFC000  }
0x8c: {  	[hbm4b:s10+s2] =	stream.linear.scatter [tilespmem:s24], [sflag:$0x9], $0x4000, $0x38;
	[tilespmem:$0x1A400] =	vst v63  }
0x8d: {  	_ =	swait.ge [sflag:s26], $0x4000  }
0x8e: {  	[sflag:s26] =	ssyncset.done $0x0  }
0x8f: {  	s10 =	sadd.s32 $0x600, s9;
	[sflag:s26] =	ssyncadd.s32 $0xFFFFC000  }
0x90: {  	[tilespmem:s22], [sflag:$0x3] =	stream.indirect.gather [hbm4b:s3+s18], $0x80, s10, s18, $0xb8;
	[tilespmem:$0x1A400] =	vst v63  }
0x91: {  	_ =	swait.ge [sflag:s21], $0x4000  }
0x92: {  	[sflag:s21] =	ssyncset.done $0x0  }
.Ltmp0:
0x93: {  	[sflag:s21] =	ssyncadd.s32 $0xFFFFC000;
	(pc) =	sbr.rel @p0 .LBB2_2-.Ltmp0, $4  }
0x94: {  	[hbm4b:s8+s2] =	stream.linear.scatter [tilespmem:s28], [sflag:$0xA], $0x4000, $0x38;
	[tilespmem:$0x1A400] =	vst v63  }
0x95: {  	_ =	swait.ge [sflag:s31], $0x4000  }
0x96: {  	[sflag:s31] =	ssyncset.done $0x0  }
0x97: {  	s9 =	sadd.s32 $0x680, s9;
	s8 =	sadd.s32 $0x2800, s8;
	[sflag:s31] =	ssyncadd.s32 $0xFFFFC000  }
0x98: {  	[tilespmem:s24], [sflag:$0x4] =	stream.indirect.gather [hbm4b:s3+s18], $0x80, s9, s18, $0xb8;
	[tilespmem:$0x1A400] =	vst v63  }
0x99: {  	_ =	swait.ge [sflag:s25], $0x4000  }
0x9a: {  	[sflag:s25] =	ssyncset.done $0x0  }
0x9b: {  	s7 =	rddreg [dreg:$0x8];
	[sflag:s25] =	ssyncadd.s32 $0xFFFFC000  }
0x9c: {  	[hbm4b:s7+s2] =	stream.linear.scatter [tilespmem:s19], [sflag:$0x6], $0x4000, $0x38;
	[tilespmem:$0x1A400] =	vst v63  }
0x9d: {  	_ =	swait.ge [sflag:s5], $0x4000  }
0x9e: {  	[sflag:s5] =	ssyncset.done $0x0  }
0x9f: {  	s10 =	simm.s32 $0x6380;
	[sflag:s5] =	ssyncadd.s32 $0xFFFFC000  }
0xa0: {  	[tilespmem:s28], [sflag:$0x5] =	stream.indirect.gather [hbm4b:s3+s18], $0x80, s10, s18, $0xb8;
	[tilespmem:$0x1A400] =	vst v63  }
0xa1: {  	_ =	swait.ge [sflag:s29], $0x4000  }
0xa2: {  	[sflag:s29] =	ssyncset.done $0x0  }
0xa3: {  	[sflag:s29] =	ssyncadd.s32 $0xFFFFC000  }
0xa4: {  	[hbm4b:s11+s2] =	stream.linear.scatter [tilespmem:s20], [sflag:$0x7], $0x4000, $0x38;
	[tilespmem:$0x1A400] =	vst v63  }
0xa5: {  	_ =	swait.ge [sflag:s1], $0x4000  }
0xa6: {  	[sflag:s1] =	ssyncset.done $0x0  }
0xa7: {  	[sflag:s1] =	ssyncadd.s32 $0xFFFFC000  }
0xa8: {  	[hbm4b:s12+s2] =	stream.linear.scatter [tilespmem:s22], [sflag:$0x8], $0x4000, $0x38;
	[tilespmem:$0x1A400] =	vst v63  }
0xa9: {  	_ =	swait.ge [sflag:s23], $0x4000  }
0xaa: {  	[sflag:s23] =	ssyncset.done $0x0  }
0xab: {  	[sflag:s23] =	ssyncadd.s32 $0xFFFFC000  }
0xac: {  	[hbm4b:s13+s2] =	stream.linear.scatter [tilespmem:s24], [sflag:$0x9], $0x4000, $0x38;
	[tilespmem:$0x1A400] =	vst v63  }
0xad: {  	_ =	swait.ge [sflag:s21], $0x4000  }
0xae: {  	[sflag:s21] =	ssyncset.done $0x0  }
0xaf: {  	[sflag:s21] =	ssyncadd.s32 $0xFFFFC000  }
0xb0: {  	[hbm4b:s14+s2] =	stream.linear.scatter [tilespmem:s28], [sflag:$0xA], $0x4000, $0x38;
	[tilespmem:$0x1A400] =	vst v63  }
0xb1: {  	_ =	swait.ge [sflag:s30], $0x4000  }
0xb2: {  	[sflag:s30] =	ssyncset.done $0x0  }
0xb3: {  	[sflag:s30] =	ssyncadd.s32 $0xFFFFC000  }
0xb4: {  	_ =	swait.ge [sflag:s0], $0x4000  }
0xb5: {  	[sflag:s0] =	ssyncset.done $0x0  }
0xb6: {  	[sflag:s0] =	ssyncadd.s32 $0xFFFFC000  }
0xb7: {  	_ =	swait.ge [sflag:s26], $0x4000  }
0xb8: {  	[sflag:s26] =	ssyncset.done $0x0  }
0xb9: {  	s6 =	sadd.s32 $0x1, s6;
	[sflag:s26] =	ssyncadd.s32 $0xFFFFC000  }
0xba: {  	p0 =	sne.s32 s6, s15;
	_ =	swait.ge [sflag:s31], $0x4000  }
.Ltmp1:
0xbb: {  	[sflag:s31] =	ssyncset.done $0x0;
	(pc) =	sbr.rel @p0 .LBB2_1-.Ltmp1, $4  }
0xbc: {  	[sflag:s31] =	ssyncadd.s32 $0xFFFFC000  }
0xbd: {  	_ =	swait.ge [sflag:s5], $0x4000  }
0xbe: {  	[sflag:s5] =	ssyncset.done $0x0  }
0xbf: {  	[sflag:s5] =	ssyncadd.s32 $0xFFFFC000  }
0xc0: {  	_ =	sfence.sel $0x180000  }
0xc1: {  	[bflag:$0x0] =	sbarrier.arrive $0xFFFF  }
0xc2: {  	_ =	strace $0x90000047  }
0xc3: {  	s0 =	stileid.u32;
	[bflag:$0x2] =	sbarrier.arrive $0xFFFF  }
0xc4: {  	p0 =	sne.s32 s0, $0x0;
	s0 =	rddreg [dreg:$0x2]  }
0xc5: {  	s0 =	sadd.s32 @!p0 $0x100000, s0  }
0xc6: {  	[sflag:s0] =	ssyncadd.tile.s32 @!p0 $0x1;
	_ =	shalt  }
.Lfunc_end2:
_tile_overlayer_lowered:
.L_overlay_start_2:
0xc7: {  	(tag) =	ssettag $0x2  }
0xc8: {  	s0 =	rddreg [dreg:$0x0];
	s2 =	stileid.u32  }
0xc9: {  	s1 =	rddreg [dreg:$0x1];
	p0 =	sne.s32 s2, $0x0  }
0xca: {  	s3 =	rddreg [dreg:$0x2];
	[bflag:$0x3] =	sbarrier.arrive $0xFFFF;
	s2 =	simm.s32 @!p0 $0x1C0B  }
0xcb: {  	[timem:s3], [sflag:s2] =	dma.local @!p0 [hbm:s0], s1  }
0xcc: {  	s0 =	simm.s32 @!p0 $0xB  }
0xcd: {  	_ =	swait.ge @!p0 [sflag:s0], s1  }
0xce: {  	s1 =	ssub.s32 @!p0 $0x0, s1;
	[sflag:s0] =	ssyncset.done @!p0 $0x0  }
0xcf: {  	[sflag:s0] =	ssyncadd.s32 @!p0 s1  }
0xd0: {  	[bflag:$0x3] =	sbarrier.arrive $0xFFFF  }
0xd1: {  	_ =	shalt  }

// kernel: sparse-core-data-format-call.cloned.1.call-start
scs
called_computation_lowered:
.L_overlay_start_0:
0x0: {  	s2 =	sld [smem:$0x3FD9]  }
0x1: {  	s3 =	sld [smem:$0x3FFE];
	_ =	sdelay $0x1  }
0x2: {  	s1 =	srdreg.scid  }
0x3: {  	s0 =	sand.u32 $0x1, s1  }
0x4: {  	s18 =	sshll.u32 s0, $0xA;
	s2 =	sadd.s32 s3, s2  }
0x5: {  	s2 =	sadd.s32 s2, s18  }
0x6: {  	[smem:$0x3FC6] =	sst s2  }
0x7: {  	_ = 	snop  }
0x8: {  	s2 =	sld [smem:$0x3FD0];
	(tm) =	ssettm $0x1  }
0x9: {  	s19 =	sld [smem:$0x3FFB];
	_ =	sdelay $0x3  }
0xa: {  	_ =	strace s19  }
0xb: {  	s3 =	sld [smem:$0x3FFC];
	_ =	sdelay $0x3  }
0xc: {  	_ =	strace s3  }
0xd: {  	s3 =	sld [smem:$0x3FFD];
	_ =	sdelay $0x3  }
0xe: {  	_ =	strace s3  }
0xf: {  	_ =	strace $0x8FFFFFFF  }
0x10: {  	s20 =	sld [smem:$0x3FDB];
	_ =	sdelay $0x1  }
0x11: {  	s4 =	simm.s32 $_scs_section_size  }
0x12: {  	s5 =	simm.s32 $_size__tile_overlayer_lowered;
	s6 =	simm.s32 $_tile_overlayer_lowered  }
0x13: {  	s23 =	simm.s32 $0x1BFF;
	s22 =	sshll.u32 s6, $0x1;
	s3 =	sadd.s32 s4, s20  }
0x14: {  	s7 =	simm.s32 $0x0;
	s21 =	sshll.u32 s5, $0x1;
	s5 =	sadd.s32 s22, s3  }
0x15: {  	[timem:s7], [sflag:s23] =	dma.local [hbm:s5], s21  }
0x16: {  	_ =	swait.ge [sflag:s23], s21  }
0x17: {  	s4 =	ssub.s32 $0x0, s21;
	[sflag:s23] =	ssyncset.done $0x0  }
0x18: {  	[sflag:s23] =	ssyncadd.s32 s4;
	_ =	sdelay $0x1  }
0x19: {  	s24 =	simm.s32 $0x1B8B  }
0x1a: {  	_ =	swait.ge [sflag:s24], $0x1  }
0x1b: {  	[sflag:s24] =	ssyncset.done $0x0  }
0x1c: {  	s26 =	simm.s32 $0x1B8E;
	s25 =	sld [smem:$0x3FFE];
	[sflag:s24] =	ssyncadd.s32 $0xFFFFFFFF  }
0x1d: {  	s27 =	simm.s32 $execute0_lowered;
	[smem:$0x3FD2] =	sst s26  }
0x1e: {  	s5 =	sshll.u32 s27, $0x1;
	_ =	strace $0x80000049;
	[dreg:$0x1] =	wrdreg $0xFFFFFFFF  }
0x1f: {  	s28 =	simm.s32 $_size_execute0_lowered;
	s3 =	sadd.s32 s3, s5;
	[dreg:$0x0] =	wrdreg $0x0  }
0x20: {  	s5 =	sshll.u32 s28, $0x1;
	[dreg:$0x2] =	wrdreg s3  }
0x21: {  	[dreg:$0x3] =	wrdreg s5  }
0x22: {  	[dreg:$0x4] =	wrdreg $0xC0  }
0x23: {  	_ =	task [dreg:s7], $0x5FFFF  }
0x24: {  	[dreg:$0x1] =	wrdreg $0xFFFFFFFF  }
0x25: {  	[dreg:$0x0] =	wrdreg $0x60  }
0x26: {  	[dreg:$0x2] =	wrdreg s25  }
0x27: {  	[dreg:$0x3] =	wrdreg s2  }
0x28: {  	[dreg:$0x4] =	wrdreg $0x9  }
0x29: {  	_ =	task.clear_ibuf [dreg:s7], $0x5FFFF;
	_ =	strace $0x90000049  }
0x2a: {  	s29 =	simm.s32 $0x9;
	_ =	strace $0x8000004B  }
0x2b: {  	_ =	swait.ge [sflag:s29], $0x1  }
0x2c: {  	[sflag:s29] =	ssyncadd.s32 $0xFFFFFFFF  }
0x2d: {  	_ =	strace $0x9000004B  }
0x2e: {  	_ =	sfence  }
0x2f: {  	s30 =	sld [smem:$0x0];
	_ =	sdelay $0x2  }
0x30: {  	s31 =	sshll.u32 s1, $0xD;
	s1 =	sshrl.u32 s1, $0x2  }
0x31: {  	s3 =	sand.u32 $0x4000, s31;
	s1 =	sadd.s32 s1, s30  }
0x32: {  	s0 =	sor.u32 s3, s0;
	s1 =	sshll.u32 s1, $0x11  }
0x33: {  	s0 =	sor.u32 s1, s0  }
0x34: {  	s0 =	sadd.s32 $0x8F2B, s0  }
0x35: {  	[sflag:s0] =	ssyncadd.remote.s32 $0x1  }
0x36: {  	_ =	sfence.sel $0xFFFF  }
0x37: {  	[dreg:$0x0] =	wrdreg $0xFFFFFFFF;
	(pc) =	sbr.abs _section_cstart, $3  }
0x38: {  	[dreg:$0x1] =	wrdreg $0xFFFFFFFF  }
0x39: {  	_ =	task.clear_ibuf [dreg:s7], $0x2FFFF;
	_ =	strace $0x9FFFFFFF  }
0x3a: {  	(tm) =	ssettm $0x7FFFFFFF  }
0x3b: {  	_ =	shalt  }
tec
execute0_lowered:
.L_overlay_start_1:
0x0: {  	(tag) =	ssettag $0x1  }
0x1: {  	s0 =	srdreg.scid  }
0x2: {  	s1 =	sshll.u32 s0, $0x4  }
0x3: {  	s0 =	stileid.u32;
	s1 =	sand.u32 $0x10, s1  }
0x4: {  	s1 =	sor.u32 s0, s1  }
0x5: {  	s6 =	rddreg [dreg:$0x0];
	s4 =	simm.s32 $0x1;
	s2 =	sshll.u32 s1, $0x7  }
0x6: {  	s7 =	simm.s32 $0x2;
	s12 =	simm.s32 $0x0;
	s1 =	ssub.s32 $0x1000, s2  }
0x7: {  	s8 =	simm.s32 $0x8000;
	s13 =	simm.s32 $0x0;
	s3 =	sand.u32 $0xF80, s1  }
0x8: {  	s9 =	simm.s32 $0x0;
	s5 =	sshrl.u32 s1, $0xC;
	p0 =	sne.s32 s3, $0x0  }
.Ltmp0:
0x9: {  	s1 =	rddreg [dreg:$0x2];
	s4 =	simm.s32 @!p0 $0x0;
	(pc) =	sbr.rel .LBB1_1-.Ltmp0, $4  }
0xa: {  	s11 =	simm.s32 $0x0;
	s3 =	rddreg [dreg:$0x1];
	s5 =	sadd.s32 s4, s5  }
0xb: {  	_ =	strace $0x8000004A;
	s4 =	simm.s32 $0x1;
	s5 =	smul.u32 $0xC8, s5  }
0xc: {  	s6 =	sadd.s32 $0xA00, s6;
	s10 =	smov.u32 s2;
	[sflag:s4] =	ssyncpa.u1 $0x0  }
0xd: {  	p0 =	por $0x0, $0x0;
	[sflag:s7] =	ssyncpa.u1 $0x0;
	s7 =	sor.u32 $0x1, s5  }
.LBB1_4:
0xe: {  	s16 =	sshll.u32 s13, $0x3;
	s17 =	sand.u32 $0x78, s13  }
0xf: {  	s30 =	sand.u32 $0x7E00, s13;
	s12 =	sshll.u32 s12, $0xF;
	s16 =	sand.u32 $0xC00, s16  }
0x10: {  	[tilespmem:s15+$0x810 ss:$0x81] =	vst.msk $0xffff, v2;
	s31 =	sand.u32 $0x7, s13;
	s16 =	sor.u32 s17, s16;
	s17 =	sadd.s32 s3, s30  }
0x11: {  	[tilespmem:s15+$0x1020 ss:$0x81] =	vst.msk $0xffff, v0;
	s13 =	sshll.u32 s31, $0x12;
	s12 =	sadd.s32 s12, s17;
	s16 =	sshrl.u32 s16, $0x3  }
0x12: {  	[tilespmem:s15+$0x0 ss:$0x81] =	vst.msk $0xffff, v1;
	s13 =	sor.u32 $0x400, s13;
	s12 =	sadd.s32 s16, s12  }
0x13: {  	[hbm4b:s12+s13] =	stream.strided.scatter [tilespmem:s14], [sflag:$0x2], $0x2000, s8, s13, $0x20;
	[tilespmem:$0x8080] =	vst v63  }
.LBB1_5:
0x14: {  	s14 =	sadd.s32 $0x1, s9  }
0x15: {  	s12 =	sadd.s32 $0x1000, s10;
	s16 =	smov.u32 s10;
	p2 =	sgt.s32 s14, $0xC7  }
0x16: {  	s16 =	smov.u32 @p2 s12  }
0x17: {  	s14 =	simm.s32 @p2 $0x0;
	p2 =	sgt.s32 s16, $0xFFF  }
0x18: {  	s16 =	smov.u32 @p2 s2;
	p2 =	sne.s32 s11, s7  }
.Ltmp1:
0x19: {  	p1 =	slt.u32 s11, $0x2;
	(pc) =	sbr.rel @!p2 .LBB1_6-.Ltmp1, $4  }
0x1a: {  	s15 =	simm.s32 @!p1 $0x2  }
0x1b: {  	s13 =	smov.u32 s10;
	p0 =	por !p0, !p0;
	_ =	swait.ge @!p1 [sflag:s15], $0x2000  }
0x1c: {  	s12 =	smov.u32 s9;
	[sflag:s15] =	ssyncset.done @!p1 $0x0;
	s9 =	smov.u32 s14  }
0x1d: {  	s11 =	sadd.s32 $0x1, s11;
	[sflag:s15] =	ssyncadd.s32 @!p1 $0xFFFFE000;
	s10 =	smov.u32 s16  }
.LBB1_1:
0x1e: {  	p1 =	sge.u32 s11, s5  }
0x1f: {  	s14 =	sand.u32 @!p1 $0x1FFFFFF, s9  }
0x20: {  	s15 =	smulhi.u32 @!p1 $0x147AE15, s14;
	_ =	sdelay $0x1  }
0x21: {  	s15 =	smul.u32 @!p1 $0xC8, s15  }
0x22: {  	s16 =	sxor.u32 @!p1 $0xFFFFFFFF, s11;
	s17 =	smul.u32 @!p1 $0xC80, s10  }
0x23: {  	s31 =	sadd.s32 $0xFFFFFFFF, s11;
	s16 =	sshll.u32 @!p1 s16, $0xD;
	s14 =	ssub.s32 @!p1 s14, s15  }
0x24: {  	s15 =	sand.u32 @!p1 $0x2000, s16;
	s16 =	sadd.s32 @!p1 s6, s17;
	s14 =	sshll.u32 @!p1 s14, $0x4  }
0x25: {  	s17 =	simm.s32 @!p1 $0x6400;
	s14 =	sadd.s32 @!p1 s14, s16;
	s16 =	simm.s32 @!p1 $0x40  }
0x26: {  	[tilespmem:s15], [sflag:$0x1] =	stream.strided.gather @!p1 [hbm4b:s14+s16], $0x2000, s17, s16, $0x38;
	[tilespmem:$0x8080] =	vst v63  }
0x27: {  	p1 =	sge.u32 s31, s5  }
.Ltmp2:
0x28: {  	_ = 	snop;
	(pc) =	sbr.rel @p1 .LBB1_5-.Ltmp2, $1  }
0x29: {  	_ =	sdelay $0x3  }
0x2a: {  	s14 =	simm.s32 $0x1  }
0x2b: {  	_ =	swait.ge [sflag:s4], $0x2000;
	s14 =	simm.s32 @!p0 $0x0  }
0x2c: {  	[sflag:s4] =	ssyncset.done $0x0;
	s15 =	sshll.u32 s14, $0xD  }
0x2d: {  	[sflag:s4] =	ssyncadd.s32 $0xFFFFE000;
	s18 =	sor.u32 $0x20, s15  }
0x2e: {  	s14 =	smul.u32 $0x8100, s14;
	v3 =	vld [tilespmem:s18+$0x10]  }
0x2f: {  	s30 =	sand.u32 $0x1, s11;
	v2 =	vld [tilespmem:s18+$0xFFFFFFF0]  }
0x30: {  	s15 =	smul.u32 $0x8100, s30;
	s14 =	sshrl.u32 s14, $0x2;
	v0 =	vld [tilespmem:s18+$0x0]  }
0x31: {  	v1 =	vld [tilespmem:s18+$0xFFFFFFE0];
	s16 =	sor.u32 $0x4000, s14  }
0x32: {  	s31 =	sshrl.u32 s15, $0x2;
	s15 =	sadd.s32 $0x0, s16  }
0x33: {  	s17 =	simm.s32 $0x4;
	s18 =	sadd.s32 $0x40, s18;
	s14 =	sor.u32 $0x4000, s31;
	[tilespmem:s15+$0x1830 ss:$0x81] =	vst.msk $0xffff, v3  }
.LBB1_3:
0x34: {  	v3 =	vld [tilespmem:s18+$0x10];
	p1 =	sne.s32 s17, $0x1FC;
	[tilespmem:s15+$0x810 ss:$0x81] =	vst.msk $0xffff, v2;
	s19 =	smov.u32 s17;
	s17 =	sadd.s32 $0x4, s17  }
.Ltmp3:
0x35: {  	v2 =	vld [tilespmem:s18+$0xFFFFFFF0];
	[tilespmem:s15+$0x1020 ss:$0x81] =	vst.msk $0xffff, v0;
	(pc) =	sbr.rel @p1 .LBB1_3-.Ltmp3, $4  }
0x36: {  	v0 =	vld [tilespmem:s18+$0x0];
	[tilespmem:s15+$0x0 ss:$0x81] =	vst.msk $0xffff, v1  }
0x37: {  	s15 =	sshra.s32 s19, $0x2;
	v1 =	vld [tilespmem:s18+$0xFFFFFFE0]  }
0x38: {  	s15 =	sadd.s32 s15, s16  }
0x39: {  	s18 =	sadd.s32 $0x40, s18;
	[tilespmem:s15+$0x1830 ss:$0x81] =	vst.msk $0xffff, v3  }
.Ltmp4:
0x3a: {  	_ = 	snop;
	(pc) =	sbr.rel .LBB1_4-.Ltmp4, $1  }
0x3b: {  	_ =	sdelay $0x3  }
.LBB1_6:
0x3c: {  	_ =	sfence.sel $0x180000  }
0x3d: {  	s2 =	simm.s32 $0x1;
	[bflag:$0x0] =	sbarrier.arrive $0xFFFF  }
0x3e: {  	s31 =	simm.s32 $0x2;
	[sflag:s2] =	ssyncpa.u1 $0x1  }
0x3f: {  	[sflag:s31] =	ssyncpa.u1 $0x1  }
0x40: {  	p0 =	sne.s32 s0, $0x0;
	_ =	strace $0x9000004A  }
0x41: {  	s0 =	sadd.s32 @!p0 $0x100000, s1;
	[bflag:$0x2] =	sbarrier.arrive $0xFFFF  }
0x42: {  	[sflag:s0] =	ssyncadd.tile.s32 @!p0 $0x1;
	_ =	shalt  }
.Lfunc_end1:
_tile_overlayer_lowered:
.L_overlay_start_2:
0x43: {  	(tag) =	ssettag $0x2  }
0x44: {  	s0 =	rddreg [dreg:$0x0];
	s2 =	stileid.u32  }
0x45: {  	s1 =	rddreg [dreg:$0x1];
	p0 =	sne.s32 s2, $0x0  }
0x46: {  	s3 =	rddreg [dreg:$0x2];
	[bflag:$0x3] =	sbarrier.arrive $0xFFFF;
	s2 =	simm.s32 @!p0 $0x1C01  }
0x47: {  	[timem:s3], [sflag:s2] =	dma.local @!p0 [hbm:s0], s1  }
0x48: {  	s0 =	simm.s32 @!p0 $0x1  }
0x49: {  	_ =	swait.ge @!p0 [sflag:s0], s1  }
0x4a: {  	s1 =	ssub.s32 @!p0 $0x0, s1;
	[sflag:s0] =	ssyncset.done @!p0 $0x0  }
0x4b: {  	[sflag:s0] =	ssyncadd.s32 @!p0 s1  }
0x4c: {  	[bflag:$0x3] =	sbarrier.arrive $0xFFFF  }
0x4d: {  	_ =	shalt  }

</sc_bundles>
